<compile_context>
chip_gen: v7x
topology: tpu7x:2x2x1
jax: 0.10.2.dev20260603
libtpu: 0.0.44.dev20260713+nightly
codegen_flags: <defaults>
</compile_context>

<pallas_src>
import jax
import jax.numpy as jnp
from jax import lax
from jax.experimental import pallas as pl
from jax.experimental.pallas import tpu as pltpu
from jax.experimental.pallas import tpu_sc as plsc

LATENT = 32
NC = 2
NS = 16
NW = NC * NS
L = 16
CHUNK = 128


def _gmf_body(uidx_hbm, iidx_hbm, utab_hbm, itab_hbm, w_hbm, b_hbm, out_hbm,
              uidx_v, iidx_v, urows_v, irows_v, w_v, b_v, sums_v, out_v, sem):
    wid = lax.axis_index("s") * NC + lax.axis_index("c")
    bpw = out_v.shape[0]
    nch = uidx_v.shape[0]
    base = wid * bpw

    pltpu.sync_copy(uidx_hbm.at[wid], uidx_v)
    pltpu.sync_copy(iidx_hbm.at[wid], iidx_v)
    pltpu.sync_copy(w_hbm, w_v)
    pltpu.sync_copy(b_hbm, b_v)

    handles = []
    for j in range(nch):
        handles.append(pltpu.async_copy(
            utab_hbm.at[uidx_v.at[j]], urows_v.at[pl.ds(j * CHUNK, CHUNK)], sem))
        handles.append(pltpu.async_copy(
            itab_hbm.at[iidx_v.at[j]], irows_v.at[pl.ds(j * CHUNK, CHUNK)], sem))
    for h in handles:
        h.wait()

    b_vec = b_v[...]
    w_lo = w_v[pl.ds(0, L)]
    w_hi = w_v[pl.ds(L, L)]
    lanes = lax.iota(jnp.int32, L)

    def group(g, carry):
        rbase = g * L
        for rr in range(L):
            r = rbase + rr
            u0, u1 = plsc.unpack(urows_v[r, pl.ds(0, 2 * L)],
                                 format=plsc.PackFormat.INTERLEAVED)
            i0, i1 = plsc.unpack(irows_v[r, pl.ds(0, 2 * L)],
                                 format=plsc.PackFormat.INTERLEAVED)
            p = u0 * i0 * w_lo + u1 * i1 * w_hi
            off = pl.multiple_of(r * L, L)
            sums_v[pl.ds(off, L)] = p
        fbase = rbase * L + lanes * L
        acc = b_vec
        for k in range(L):
            acc = acc + plsc.load_gather(sums_v, [fbase + k])
        off = pl.multiple_of(rbase, L)
        out_v[pl.ds(off, L)] = 1.0 / (1.0 + jnp.exp(-acc))
        return carry

    lax.fori_loop(0, bpw // L, group, 0)
    pltpu.sync_copy(out_v, out_hbm.at[pl.ds(base, bpw)])


def kernel(user_indices, item_indices, emb_user_gmf, emb_item_gmf, W_aff, b_aff):
    batch = user_indices.shape[0]
    bpw = batch // NW
    nch = bpw // CHUNK
    uidx = user_indices.astype(jnp.int32).reshape(NW, nch, CHUNK)
    iidx = item_indices.astype(jnp.int32).reshape(NW, nch, CHUNK)
    utab = emb_user_gmf.astype(jnp.bfloat16)
    itab = emb_item_gmf.astype(jnp.bfloat16)
    w_flat = W_aff.reshape(LATENT).astype(jnp.float32)
    w = jnp.concatenate([w_flat[0::2], w_flat[1::2]])
    b = jnp.broadcast_to(b_aff.reshape(()), (L,)).astype(jnp.float32)

    fn = pl.kernel(
        _gmf_body,
        mesh=plsc.VectorSubcoreMesh(core_axis_name="c", subcore_axis_name="s"),
        compiler_params=pltpu.CompilerParams(
            needs_layout_passes=False, use_tc_tiling_on_sc=False),
        out_type=jax.ShapeDtypeStruct((batch,), jnp.float32),
        scratch_types=[
            pltpu.VMEM((nch, CHUNK), jnp.int32),
            pltpu.VMEM((nch, CHUNK), jnp.int32),
            pltpu.VMEM((bpw, LATENT), jnp.bfloat16),
            pltpu.VMEM((bpw, LATENT), jnp.bfloat16),
            pltpu.VMEM((LATENT,), jnp.float32),
            pltpu.VMEM((L,), jnp.float32),
            pltpu.VMEM((bpw * L,), jnp.float32),
            pltpu.VMEM((bpw,), jnp.float32),
            pltpu.SemaphoreType.DMA,
        ],
    )
    out = fn(uidx, iidx, utab, itab, w, b)
    return out.reshape(batch, 1)

# --- scband reference (transcript-rebuilt; emitter-appended) ---
"""Pipeline reference for scband-gmf-26654567039310 (READ-ONLY COPY).

The authoritative reference and input builder live on the scoring server;
editing this copy changes nothing except your own understanding.
"""

import jax, jax.numpy as jnp
import numpy as np

NUM_USERS = 1000000
LATENT = 32
BATCH = 16384

def setup_inputs(seed: int = 0) -> dict:
    key = jax.random.key(seed)
    k1, k2, k3, k4, k5, k6 = jax.random.split(key, 6)
    user_indices = jax.random.randint(k1, (BATCH,), 0, NUM_USERS, dtype=jnp.int64) if jax.config.jax_enable_x64 else jax.random.randint(k1, (BATCH,), 0, NUM_USERS, dtype=jnp.int32)
    item_indices = jax.random.randint(k2, (BATCH,), 0, NUM_USERS, dtype=jnp.int32)
    # embedding tables (GMF) - note: torch code sizes item table by num_users too
    emb_user_gmf = jax.random.normal(k3, (NUM_USERS, LATENT), dtype=jnp.float32)
    emb_item_gmf = jax.random.normal(k4, (NUM_USERS, LATENT), dtype=jnp.float32)
    # affine output layer: Linear(LATENT -> 1)
    bound = 1.0 / np.sqrt(LATENT)
    W_aff = jax.random.uniform(k5, (1, LATENT), minval=-bound, maxval=bound, dtype=jnp.float32)
    b_aff = jax.random.uniform(k6, (1,), minval=-bound, maxval=bound, dtype=jnp.float32)
    return {
        "user_indices": user_indices,
        "item_indices": item_indices,
        "emb_user_gmf": emb_user_gmf,
        "emb_item_gmf": emb_item_gmf,
        "W_aff": W_aff,
        "b_aff": b_aff,
    }

def reference(user_indices, item_indices, emb_user_gmf, emb_item_gmf, W_aff, b_aff):
    user_embedding = jnp.take(emb_user_gmf, user_indices, axis=0)
    item_embedding = jnp.take(emb_item_gmf, item_indices, axis=0)
    element_product = user_embedding * item_embedding
    logits = element_product @ W_aff.T + b_aff
    rating = jax.nn.sigmoid(logits)
    return rating

if __name__ == "__main__":
    import jax
    _d = setup_inputs()
    print(jax.jit(kernel)(*tuple(_d.values())))

</pallas_src>

<mosaic_0001>
#map = affine_map<(d0, d1) -> (0, 0, 0)>
#map1 = affine_map<(d0, d1) -> (0, 0)>
#map2 = affine_map<(d0, d1) -> (0)>
module attributes {stable_mosaic.version = 14 : i64} {
  func.func @_gmf_body(%arg0: i32, %arg1: i32, %arg2: memref<32x4x128xi32, #tpu.memory_space<hbm>>, %arg3: memref<32x4x128xi32, #tpu.memory_space<hbm>>, %arg4: memref<1000000x32xbf16, #tpu.memory_space<hbm>>, %arg5: memref<1000000x32xbf16, #tpu.memory_space<hbm>>, %arg6: memref<32xf32, #tpu.memory_space<hbm>>, %arg7: memref<16xf32, #tpu.memory_space<hbm>>, %arg8: memref<16384xf32, #tpu.memory_space<hbm>>, %arg9: memref<4x128xi32, #tpu.memory_space<vmem>>, %arg10: memref<4x128xi32, #tpu.memory_space<vmem>>, %arg11: memref<512x32xbf16, #tpu.memory_space<vmem>>, %arg12: memref<512x32xbf16, #tpu.memory_space<vmem>>, %arg13: memref<32xf32, #tpu.memory_space<vmem>>, %arg14: memref<16xf32, #tpu.memory_space<vmem>>, %arg15: memref<8192xf32, #tpu.memory_space<vmem>>, %arg16: memref<512xf32, #tpu.memory_space<vmem>>, %arg17: memref<!tpu.dma_semaphore, #tpu.memory_space<semaphore_mem>>) attributes {dimension_semantics = [#tpu.dimension_semantics<core_parallel>, #tpu.dimension_semantics<subcore_parallel>], iteration_bounds = array<i64: 2, 16>, scalar_prefetch = 0 : i64, scratch_operands = 9 : i64, tpu.core_type = #tpu.core_type<sc_vector_subcore>, window_params = [{transform_indices = #map}, {transform_indices = #map}, {transform_indices = #map1}, {transform_indices = #map1}, {transform_indices = #map2}, {transform_indices = #map2}, {transform_indices = #map2}]} {
    %mul3A = arith.constant 2 : i32
    %mul3A_0 = arith.muli %arg1, %mul3A : i32
    %add3A = arith.addi %mul3A_0, %arg0 : i32
    %mul3A_1 = arith.constant 512 : i32
    %mul3A_2 = arith.muli %add3A, %mul3A_1 : i32
    "tpu.region"() ({
      %run_scoped3A = tpu.sem_alloc : memref<!tpu.dma_semaphore, #tpu.memory_space<semaphore_mem>>
      %dma_start3A_171 = arith.constant 0 : i32
      %dma_start3A_172 = arith.constant 0 : i32
      %dma_start3A_173 = tpu.memref_slice %arg2[%add3A, %dma_start3A_171, %dma_start3A_172] : memref<32x4x128xi32, #tpu.memory_space<hbm>> -> memref<1x4x128xi32, #tpu.memory_space<hbm>>
      %dma_start3A_174 = tpu.memref_squeeze %dma_start3A_173 : memref<1x4x128xi32, #tpu.memory_space<hbm>> -> memref<4x128xi32, #tpu.memory_space<hbm>>
      %dma_start3A_175 = arith.constant 0 : i32
      %dma_start3A_176 = arith.constant 0 : i32
      %dma_start3A_177 = tpu.memref_slice %arg2[%add3A, %dma_start3A_175, %dma_start3A_176] : memref<32x4x128xi32, #tpu.memory_space<hbm>> -> memref<1x4x128xi32, #tpu.memory_space<hbm>>
      %dma_start3A_178 = tpu.memref_squeeze %dma_start3A_177 : memref<1x4x128xi32, #tpu.memory_space<hbm>> -> memref<4x128xi32, #tpu.memory_space<hbm>>
      tpu.enqueue_dma source(%dma_start3A_178 : memref<4x128xi32, #tpu.memory_space<hbm>>) target(%arg9 : memref<4x128xi32, #tpu.memory_space<vmem>>) target_semaphore(%run_scoped3A : memref<!tpu.dma_semaphore, #tpu.memory_space<semaphore_mem>>)
      %dma_wait3A_179 = arith.constant 0 : i32
      %dma_wait3A_180 = arith.constant 0 : i32
      %dma_wait3A_181 = tpu.memref_slice %arg2[%add3A, %dma_wait3A_179, %dma_wait3A_180] : memref<32x4x128xi32, #tpu.memory_space<hbm>> -> memref<1x4x128xi32, #tpu.memory_space<hbm>>
      %dma_wait3A_182 = tpu.memref_squeeze %dma_wait3A_181 : memref<1x4x128xi32, #tpu.memory_space<hbm>> -> memref<4x128xi32, #tpu.memory_space<hbm>>
      %dma_wait3A_183 = arith.constant 0 : i32
      %dma_wait3A_184 = arith.constant 0 : i32
      %dma_wait3A_185 = tpu.memref_slice %arg2[%add3A, %dma_wait3A_183, %dma_wait3A_184] : memref<32x4x128xi32, #tpu.memory_space<hbm>> -> memref<1x4x128xi32, #tpu.memory_space<hbm>>
      %dma_wait3A_186 = tpu.memref_squeeze %dma_wait3A_185 : memref<1x4x128xi32, #tpu.memory_space<hbm>> -> memref<4x128xi32, #tpu.memory_space<hbm>>
      tpu.wait_dma2 semaphore(%run_scoped3A : memref<!tpu.dma_semaphore, #tpu.memory_space<semaphore_mem>>) src(%dma_wait3A_186 : memref<4x128xi32, #tpu.memory_space<hbm>>) dst(%arg9 : memref<4x128xi32, #tpu.memory_space<vmem>>)
      tpu.yield
    }) : () -> ()
    "tpu.region"() ({
      %run_scoped3A = tpu.sem_alloc : memref<!tpu.dma_semaphore, #tpu.memory_space<semaphore_mem>>
      %dma_start3A_171 = arith.constant 0 : i32
      %dma_start3A_172 = arith.constant 0 : i32
      %dma_start3A_173 = tpu.memref_slice %arg3[%add3A, %dma_start3A_171, %dma_start3A_172] : memref<32x4x128xi32, #tpu.memory_space<hbm>> -> memref<1x4x128xi32, #tpu.memory_space<hbm>>
      %dma_start3A_174 = tpu.memref_squeeze %dma_start3A_173 : memref<1x4x128xi32, #tpu.memory_space<hbm>> -> memref<4x128xi32, #tpu.memory_space<hbm>>
      %dma_start3A_175 = arith.constant 0 : i32
      %dma_start3A_176 = arith.constant 0 : i32
      %dma_start3A_177 = tpu.memref_slice %arg3[%add3A, %dma_start3A_175, %dma_start3A_176] : memref<32x4x128xi32, #tpu.memory_space<hbm>> -> memref<1x4x128xi32, #tpu.memory_space<hbm>>
      %dma_start3A_178 = tpu.memref_squeeze %dma_start3A_177 : memref<1x4x128xi32, #tpu.memory_space<hbm>> -> memref<4x128xi32, #tpu.memory_space<hbm>>
      tpu.enqueue_dma source(%dma_start3A_178 : memref<4x128xi32, #tpu.memory_space<hbm>>) target(%arg10 : memref<4x128xi32, #tpu.memory_space<vmem>>) target_semaphore(%run_scoped3A : memref<!tpu.dma_semaphore, #tpu.memory_space<semaphore_mem>>)
      %dma_wait3A_179 = arith.constant 0 : i32
      %dma_wait3A_180 = arith.constant 0 : i32
      %dma_wait3A_181 = tpu.memref_slice %arg3[%add3A, %dma_wait3A_179, %dma_wait3A_180] : memref<32x4x128xi32, #tpu.memory_space<hbm>> -> memref<1x4x128xi32, #tpu.memory_space<hbm>>
      %dma_wait3A_182 = tpu.memref_squeeze %dma_wait3A_181 : memref<1x4x128xi32, #tpu.memory_space<hbm>> -> memref<4x128xi32, #tpu.memory_space<hbm>>
      %dma_wait3A_183 = arith.constant 0 : i32
      %dma_wait3A_184 = arith.constant 0 : i32
      %dma_wait3A_185 = tpu.memref_slice %arg3[%add3A, %dma_wait3A_183, %dma_wait3A_184] : memref<32x4x128xi32, #tpu.memory_space<hbm>> -> memref<1x4x128xi32, #tpu.memory_space<hbm>>
      %dma_wait3A_186 = tpu.memref_squeeze %dma_wait3A_185 : memref<1x4x128xi32, #tpu.memory_space<hbm>> -> memref<4x128xi32, #tpu.memory_space<hbm>>
      tpu.wait_dma2 semaphore(%run_scoped3A : memref<!tpu.dma_semaphore, #tpu.memory_space<semaphore_mem>>) src(%dma_wait3A_186 : memref<4x128xi32, #tpu.memory_space<hbm>>) dst(%arg10 : memref<4x128xi32, #tpu.memory_space<vmem>>)
      tpu.yield
    }) : () -> ()
    "tpu.region"() ({
      %run_scoped3A = tpu.sem_alloc : memref<!tpu.dma_semaphore, #tpu.memory_space<semaphore_mem>>
      tpu.enqueue_dma source(%arg6 : memref<32xf32, #tpu.memory_space<hbm>>) target(%arg13 : memref<32xf32, #tpu.memory_space<vmem>>) target_semaphore(%run_scoped3A : memref<!tpu.dma_semaphore, #tpu.memory_space<semaphore_mem>>)
      tpu.wait_dma2 semaphore(%run_scoped3A : memref<!tpu.dma_semaphore, #tpu.memory_space<semaphore_mem>>) src(%arg6 : memref<32xf32, #tpu.memory_space<hbm>>) dst(%arg13 : memref<32xf32, #tpu.memory_space<vmem>>)
      tpu.yield
    }) : () -> ()
    "tpu.region"() ({
      %run_scoped3A = tpu.sem_alloc : memref<!tpu.dma_semaphore, #tpu.memory_space<semaphore_mem>>
      tpu.enqueue_dma source(%arg7 : memref<16xf32, #tpu.memory_space<hbm>>) target(%arg14 : memref<16xf32, #tpu.memory_space<vmem>>) target_semaphore(%run_scoped3A : memref<!tpu.dma_semaphore, #tpu.memory_space<semaphore_mem>>)
      tpu.wait_dma2 semaphore(%run_scoped3A : memref<!tpu.dma_semaphore, #tpu.memory_space<semaphore_mem>>) src(%arg7 : memref<16xf32, #tpu.memory_space<hbm>>) dst(%arg14 : memref<16xf32, #tpu.memory_space<vmem>>)
      tpu.yield
    }) : () -> ()
    %dma_start3A = arith.constant 0 : i32
    %dma_start3A_3 = arith.constant 0 : i32
    %dma_start3A_4 = arith.constant 0 : i32
    %dma_start3A_5 = tpu.memref_slice %arg11[%dma_start3A_3, %dma_start3A_4] : memref<512x32xbf16, #tpu.memory_space<vmem>> -> memref<128x32xbf16, #tpu.memory_space<vmem>>
    %dma_start3A_6 = arith.constant 0 : i32
    %dma_start3A_7 = tpu.memref_slice %arg9[%dma_start3A, %dma_start3A_6] : memref<4x128xi32, #tpu.memory_space<vmem>> -> memref<1x128xi32, #tpu.memory_space<vmem>>
    %dma_start3A_8 = tpu.memref_squeeze %dma_start3A_7 : memref<1x128xi32, #tpu.memory_space<vmem>> -> memref<128xi32, #tpu.memory_space<vmem>>
    %dma_start3A_9 = arith.constant 0 : i32
    %dma_start3A_10 = arith.constant 0 : i32
    %dma_start3A_11 = tpu.memref_slice %arg4[%dma_start3A_9, %dma_start3A_10] : memref<1000000x32xbf16, #tpu.memory_space<hbm>> -> memref<1000000x32xbf16, #tpu.memory_space<hbm>>
    tpu.enqueue_indirect_dma source(%dma_start3A_11 : memref<1000000x32xbf16, #tpu.memory_space<hbm>>) target(%dma_start3A_5 : memref<128x32xbf16, #tpu.memory_space<vmem>>) offsets(%dma_start3A_8 : memref<128xi32, #tpu.memory_space<vmem>>) semaphore(%arg17 : memref<!tpu.dma_semaphore, #tpu.memory_space<semaphore_mem>>)
    %dma_start3A_12 = arith.constant 0 : i32
    %dma_start3A_13 = arith.constant 0 : i32
    %dma_start3A_14 = arith.constant 0 : i32
    %dma_start3A_15 = tpu.memref_slice %arg12[%dma_start3A_13, %dma_start3A_14] : memref<512x32xbf16, #tpu.memory_space<vmem>> -> memref<128x32xbf16, #tpu.memory_space<vmem>>
    %dma_start3A_16 = arith.constant 0 : i32
    %dma_start3A_17 = tpu.memref_slice %arg10[%dma_start3A_12, %dma_start3A_16] : memref<4x128xi32, #tpu.memory_space<vmem>> -> memref<1x128xi32, #tpu.memory_space<vmem>>
    %dma_start3A_18 = tpu.memref_squeeze %dma_start3A_17 : memref<1x128xi32, #tpu.memory_space<vmem>> -> memref<128xi32, #tpu.memory_space<vmem>>
    %dma_start3A_19 = arith.constant 0 : i32
    %dma_start3A_20 = arith.constant 0 : i32
    %dma_start3A_21 = tpu.memref_slice %arg5[%dma_start3A_19, %dma_start3A_20] : memref<1000000x32xbf16, #tpu.memory_space<hbm>> -> memref<1000000x32xbf16, #tpu.memory_space<hbm>>
    tpu.enqueue_indirect_dma source(%dma_start3A_21 : memref<1000000x32xbf16, #tpu.memory_space<hbm>>) target(%dma_start3A_15 : memref<128x32xbf16, #tpu.memory_space<vmem>>) offsets(%dma_start3A_18 : memref<128xi32, #tpu.memory_space<vmem>>) semaphore(%arg17 : memref<!tpu.dma_semaphore, #tpu.memory_space<semaphore_mem>>)
    %dma_start3A_22 = arith.constant 1 : i32
    %dma_start3A_23 = arith.constant 128 : i32
    %dma_start3A_24 = arith.constant 0 : i32
    %dma_start3A_25 = tpu.memref_slice %arg11[%dma_start3A_23, %dma_start3A_24] : memref<512x32xbf16, #tpu.memory_space<vmem>> -> memref<128x32xbf16, #tpu.memory_space<vmem>>
    %dma_start3A_26 = arith.constant 0 : i32
    %dma_start3A_27 = tpu.memref_slice %arg9[%dma_start3A_22, %dma_start3A_26] : memref<4x128xi32, #tpu.memory_space<vmem>> -> memref<1x128xi32, #tpu.memory_space<vmem>>
    %dma_start3A_28 = tpu.memref_squeeze %dma_start3A_27 : memref<1x128xi32, #tpu.memory_space<vmem>> -> memref<128xi32, #tpu.memory_space<vmem>>
    %dma_start3A_29 = arith.constant 0 : i32
    %dma_start3A_30 = arith.constant 0 : i32
    %dma_start3A_31 = tpu.memref_slice %arg4[%dma_start3A_29, %dma_start3A_30] : memref<1000000x32xbf16, #tpu.memory_space<hbm>> -> memref<1000000x32xbf16, #tpu.memory_space<hbm>>
    tpu.enqueue_indirect_dma source(%dma_start3A_31 : memref<1000000x32xbf16, #tpu.memory_space<hbm>>) target(%dma_start3A_25 : memref<128x32xbf16, #tpu.memory_space<vmem>>) offsets(%dma_start3A_28 : memref<128xi32, #tpu.memory_space<vmem>>) semaphore(%arg17 : memref<!tpu.dma_semaphore, #tpu.memory_space<semaphore_mem>>)
    %dma_start3A_32 = arith.constant 1 : i32
    %dma_start3A_33 = arith.constant 128 : i32
    %dma_start3A_34 = arith.constant 0 : i32
    %dma_start3A_35 = tpu.memref_slice %arg12[%dma_start3A_33, %dma_start3A_34] : memref<512x32xbf16, #tpu.memory_space<vmem>> -> memref<128x32xbf16, #tpu.memory_space<vmem>>
    %dma_start3A_36 = arith.constant 0 : i32
    %dma_start3A_37 = tpu.memref_slice %arg10[%dma_start3A_32, %dma_start3A_36] : memref<4x128xi32, #tpu.memory_space<vmem>> -> memref<1x128xi32, #tpu.memory_space<vmem>>
    %dma_start3A_38 = tpu.memref_squeeze %dma_start3A_37 : memref<1x128xi32, #tpu.memory_space<vmem>> -> memref<128xi32, #tpu.memory_space<vmem>>
    %dma_start3A_39 = arith.constant 0 : i32
    %dma_start3A_40 = arith.constant 0 : i32
    %dma_start3A_41 = tpu.memref_slice %arg5[%dma_start3A_39, %dma_start3A_40] : memref<1000000x32xbf16, #tpu.memory_space<hbm>> -> memref<1000000x32xbf16, #tpu.memory_space<hbm>>
    tpu.enqueue_indirect_dma source(%dma_start3A_41 : memref<1000000x32xbf16, #tpu.memory_space<hbm>>) target(%dma_start3A_35 : memref<128x32xbf16, #tpu.memory_space<vmem>>) offsets(%dma_start3A_38 : memref<128xi32, #tpu.memory_space<vmem>>) semaphore(%arg17 : memref<!tpu.dma_semaphore, #tpu.memory_space<semaphore_mem>>)
    %dma_start3A_42 = arith.constant 2 : i32
    %dma_start3A_43 = arith.constant 256 : i32
    %dma_start3A_44 = arith.constant 0 : i32
    %dma_start3A_45 = tpu.memref_slice %arg11[%dma_start3A_43, %dma_start3A_44] : memref<512x32xbf16, #tpu.memory_space<vmem>> -> memref<128x32xbf16, #tpu.memory_space<vmem>>
    %dma_start3A_46 = arith.constant 0 : i32
    %dma_start3A_47 = tpu.memref_slice %arg9[%dma_start3A_42, %dma_start3A_46] : memref<4x128xi32, #tpu.memory_space<vmem>> -> memref<1x128xi32, #tpu.memory_space<vmem>>
    %dma_start3A_48 = tpu.memref_squeeze %dma_start3A_47 : memref<1x128xi32, #tpu.memory_space<vmem>> -> memref<128xi32, #tpu.memory_space<vmem>>
    %dma_start3A_49 = arith.constant 0 : i32
    %dma_start3A_50 = arith.constant 0 : i32
    %dma_start3A_51 = tpu.memref_slice %arg4[%dma_start3A_49, %dma_start3A_50] : memref<1000000x32xbf16, #tpu.memory_space<hbm>> -> memref<1000000x32xbf16, #tpu.memory_space<hbm>>
    tpu.enqueue_indirect_dma source(%dma_start3A_51 : memref<1000000x32xbf16, #tpu.memory_space<hbm>>) target(%dma_start3A_45 : memref<128x32xbf16, #tpu.memory_space<vmem>>) offsets(%dma_start3A_48 : memref<128xi32, #tpu.memory_space<vmem>>) semaphore(%arg17 : memref<!tpu.dma_semaphore, #tpu.memory_space<semaphore_mem>>)
    %dma_start3A_52 = arith.constant 2 : i32
    %dma_start3A_53 = arith.constant 256 : i32
    %dma_start3A_54 = arith.constant 0 : i32
    %dma_start3A_55 = tpu.memref_slice %arg12[%dma_start3A_53, %dma_start3A_54] : memref<512x32xbf16, #tpu.memory_space<vmem>> -> memref<128x32xbf16, #tpu.memory_space<vmem>>
    %dma_start3A_56 = arith.constant 0 : i32
    %dma_start3A_57 = tpu.memref_slice %arg10[%dma_start3A_52, %dma_start3A_56] : memref<4x128xi32, #tpu.memory_space<vmem>> -> memref<1x128xi32, #tpu.memory_space<vmem>>
    %dma_start3A_58 = tpu.memref_squeeze %dma_start3A_57 : memref<1x128xi32, #tpu.memory_space<vmem>> -> memref<128xi32, #tpu.memory_space<vmem>>
    %dma_start3A_59 = arith.constant 0 : i32
    %dma_start3A_60 = arith.constant 0 : i32
    %dma_start3A_61 = tpu.memref_slice %arg5[%dma_start3A_59, %dma_start3A_60] : memref<1000000x32xbf16, #tpu.memory_space<hbm>> -> memref<1000000x32xbf16, #tpu.memory_space<hbm>>
    tpu.enqueue_indirect_dma source(%dma_start3A_61 : memref<1000000x32xbf16, #tpu.memory_space<hbm>>) target(%dma_start3A_55 : memref<128x32xbf16, #tpu.memory_space<vmem>>) offsets(%dma_start3A_58 : memref<128xi32, #tpu.memory_space<vmem>>) semaphore(%arg17 : memref<!tpu.dma_semaphore, #tpu.memory_space<semaphore_mem>>)
    %dma_start3A_62 = arith.constant 3 : i32
    %dma_start3A_63 = arith.constant 384 : i32
    %dma_start3A_64 = arith.constant 0 : i32
    %dma_start3A_65 = tpu.memref_slice %arg11[%dma_start3A_63, %dma_start3A_64] : memref<512x32xbf16, #tpu.memory_space<vmem>> -> memref<128x32xbf16, #tpu.memory_space<vmem>>
    %dma_start3A_66 = arith.constant 0 : i32
    %dma_start3A_67 = tpu.memref_slice %arg9[%dma_start3A_62, %dma_start3A_66] : memref<4x128xi32, #tpu.memory_space<vmem>> -> memref<1x128xi32, #tpu.memory_space<vmem>>
    %dma_start3A_68 = tpu.memref_squeeze %dma_start3A_67 : memref<1x128xi32, #tpu.memory_space<vmem>> -> memref<128xi32, #tpu.memory_space<vmem>>
    %dma_start3A_69 = arith.constant 0 : i32
    %dma_start3A_70 = arith.constant 0 : i32
    %dma_start3A_71 = tpu.memref_slice %arg4[%dma_start3A_69, %dma_start3A_70] : memref<1000000x32xbf16, #tpu.memory_space<hbm>> -> memref<1000000x32xbf16, #tpu.memory_space<hbm>>
    tpu.enqueue_indirect_dma source(%dma_start3A_71 : memref<1000000x32xbf16, #tpu.memory_space<hbm>>) target(%dma_start3A_65 : memref<128x32xbf16, #tpu.memory_space<vmem>>) offsets(%dma_start3A_68 : memref<128xi32, #tpu.memory_space<vmem>>) semaphore(%arg17 : memref<!tpu.dma_semaphore, #tpu.memory_space<semaphore_mem>>)
    %dma_start3A_72 = arith.constant 3 : i32
    %dma_start3A_73 = arith.constant 384 : i32
    %dma_start3A_74 = arith.constant 0 : i32
    %dma_start3A_75 = tpu.memref_slice %arg12[%dma_start3A_73, %dma_start3A_74] : memref<512x32xbf16, #tpu.memory_space<vmem>> -> memref<128x32xbf16, #tpu.memory_space<vmem>>
    %dma_start3A_76 = arith.constant 0 : i32
    %dma_start3A_77 = tpu.memref_slice %arg10[%dma_start3A_72, %dma_start3A_76] : memref<4x128xi32, #tpu.memory_space<vmem>> -> memref<1x128xi32, #tpu.memory_space<vmem>>
    %dma_start3A_78 = tpu.memref_squeeze %dma_start3A_77 : memref<1x128xi32, #tpu.memory_space<vmem>> -> memref<128xi32, #tpu.memory_space<vmem>>
    %dma_start3A_79 = arith.constant 0 : i32
    %dma_start3A_80 = arith.constant 0 : i32
    %dma_start3A_81 = tpu.memref_slice %arg5[%dma_start3A_79, %dma_start3A_80] : memref<1000000x32xbf16, #tpu.memory_space<hbm>> -> memref<1000000x32xbf16, #tpu.memory_space<hbm>>
    tpu.enqueue_indirect_dma source(%dma_start3A_81 : memref<1000000x32xbf16, #tpu.memory_space<hbm>>) target(%dma_start3A_75 : memref<128x32xbf16, #tpu.memory_space<vmem>>) offsets(%dma_start3A_78 : memref<128xi32, #tpu.memory_space<vmem>>) semaphore(%arg17 : memref<!tpu.dma_semaphore, #tpu.memory_space<semaphore_mem>>)
    %dma_wait3A = arith.constant 0 : i32
    %dma_wait3A_82 = arith.constant 0 : i32
    %dma_wait3A_83 = arith.constant 0 : i32
    %dma_wait3A_84 = tpu.memref_slice %arg11[%dma_wait3A_82, %dma_wait3A_83] : memref<512x32xbf16, #tpu.memory_space<vmem>> -> memref<128x32xbf16, #tpu.memory_space<vmem>>
    %dma_wait3A_85 = arith.constant 0 : i32
    %dma_wait3A_86 = tpu.memref_slice %arg9[%dma_wait3A, %dma_wait3A_85] : memref<4x128xi32, #tpu.memory_space<vmem>> -> memref<1x128xi32, #tpu.memory_space<vmem>>
    %dma_wait3A_87 = tpu.memref_squeeze %dma_wait3A_86 : memref<1x128xi32, #tpu.memory_space<vmem>> -> memref<128xi32, #tpu.memory_space<vmem>>
    %dma_wait3A_88 = arith.constant 0 : i32
    %dma_wait3A_89 = arith.constant 0 : i32
    %dma_wait3A_90 = tpu.memref_slice %arg4[%dma_wait3A_88, %dma_wait3A_89] : memref<1000000x32xbf16, #tpu.memory_space<hbm>> -> memref<1000000x32xbf16, #tpu.memory_space<hbm>>
    tpu.wait_indirect_dma semaphore(%arg17 : memref<!tpu.dma_semaphore, #tpu.memory_space<semaphore_mem>>) src(%dma_wait3A_90 : memref<1000000x32xbf16, #tpu.memory_space<hbm>>) dst(%dma_wait3A_84 : memref<128x32xbf16, #tpu.memory_space<vmem>>)
    %dma_wait3A_91 = arith.constant 0 : i32
    %dma_wait3A_92 = arith.constant 0 : i32
    %dma_wait3A_93 = arith.constant 0 : i32
    %dma_wait3A_94 = tpu.memref_slice %arg12[%dma_wait3A_92, %dma_wait3A_93] : memref<512x32xbf16, #tpu.memory_space<vmem>> -> memref<128x32xbf16, #tpu.memory_space<vmem>>
    %dma_wait3A_95 = arith.constant 0 : i32
    %dma_wait3A_96 = tpu.memref_slice %arg10[%dma_wait3A_91, %dma_wait3A_95] : memref<4x128xi32, #tpu.memory_space<vmem>> -> memref<1x128xi32, #tpu.memory_space<vmem>>
    %dma_wait3A_97 = tpu.memref_squeeze %dma_wait3A_96 : memref<1x128xi32, #tpu.memory_space<vmem>> -> memref<128xi32, #tpu.memory_space<vmem>>
    %dma_wait3A_98 = arith.constant 0 : i32
    %dma_wait3A_99 = arith.constant 0 : i32
    %dma_wait3A_100 = tpu.memref_slice %arg5[%dma_wait3A_98, %dma_wait3A_99] : memref<1000000x32xbf16, #tpu.memory_space<hbm>> -> memref<1000000x32xbf16, #tpu.memory_space<hbm>>
    tpu.wait_indirect_dma semaphore(%arg17 : memref<!tpu.dma_semaphore, #tpu.memory_space<semaphore_mem>>) src(%dma_wait3A_100 : memref<1000000x32xbf16, #tpu.memory_space<hbm>>) dst(%dma_wait3A_94 : memref<128x32xbf16, #tpu.memory_space<vmem>>)
    %dma_wait3A_101 = arith.constant 1 : i32
    %dma_wait3A_102 = arith.constant 128 : i32
    %dma_wait3A_103 = arith.constant 0 : i32
    %dma_wait3A_104 = tpu.memref_slice %arg11[%dma_wait3A_102, %dma_wait3A_103] : memref<512x32xbf16, #tpu.memory_space<vmem>> -> memref<128x32xbf16, #tpu.memory_space<vmem>>
    %dma_wait3A_105 = arith.constant 0 : i32
    %dma_wait3A_106 = tpu.memref_slice %arg9[%dma_wait3A_101, %dma_wait3A_105] : memref<4x128xi32, #tpu.memory_space<vmem>> -> memref<1x128xi32, #tpu.memory_space<vmem>>
    %dma_wait3A_107 = tpu.memref_squeeze %dma_wait3A_106 : memref<1x128xi32, #tpu.memory_space<vmem>> -> memref<128xi32, #tpu.memory_space<vmem>>
    %dma_wait3A_108 = arith.constant 0 : i32
    %dma_wait3A_109 = arith.constant 0 : i32
    %dma_wait3A_110 = tpu.memref_slice %arg4[%dma_wait3A_108, %dma_wait3A_109] : memref<1000000x32xbf16, #tpu.memory_space<hbm>> -> memref<1000000x32xbf16, #tpu.memory_space<hbm>>
    tpu.wait_indirect_dma semaphore(%arg17 : memref<!tpu.dma_semaphore, #tpu.memory_space<semaphore_mem>>) src(%dma_wait3A_110 : memref<1000000x32xbf16, #tpu.memory_space<hbm>>) dst(%dma_wait3A_104 : memref<128x32xbf16, #tpu.memory_space<vmem>>)
    %dma_wait3A_111 = arith.constant 1 : i32
    %dma_wait3A_112 = arith.constant 128 : i32
    %dma_wait3A_113 = arith.constant 0 : i32
    %dma_wait3A_114 = tpu.memref_slice %arg12[%dma_wait3A_112, %dma_wait3A_113] : memref<512x32xbf16, #tpu.memory_space<vmem>> -> memref<128x32xbf16, #tpu.memory_space<vmem>>
    %dma_wait3A_115 = arith.constant 0 : i32
    %dma_wait3A_116 = tpu.memref_slice %arg10[%dma_wait3A_111, %dma_wait3A_115] : memref<4x128xi32, #tpu.memory_space<vmem>> -> memref<1x128xi32, #tpu.memory_space<vmem>>
    %dma_wait3A_117 = tpu.memref_squeeze %dma_wait3A_116 : memref<1x128xi32, #tpu.memory_space<vmem>> -> memref<128xi32, #tpu.memory_space<vmem>>
    %dma_wait3A_118 = arith.constant 0 : i32
    %dma_wait3A_119 = arith.constant 0 : i32
    %dma_wait3A_120 = tpu.memref_slice %arg5[%dma_wait3A_118, %dma_wait3A_119] : memref<1000000x32xbf16, #tpu.memory_space<hbm>> -> memref<1000000x32xbf16, #tpu.memory_space<hbm>>
    tpu.wait_indirect_dma semaphore(%arg17 : memref<!tpu.dma_semaphore, #tpu.memory_space<semaphore_mem>>) src(%dma_wait3A_120 : memref<1000000x32xbf16, #tpu.memory_space<hbm>>) dst(%dma_wait3A_114 : memref<128x32xbf16, #tpu.memory_space<vmem>>)
    %dma_wait3A_121 = arith.constant 2 : i32
    %dma_wait3A_122 = arith.constant 256 : i32
    %dma_wait3A_123 = arith.constant 0 : i32
    %dma_wait3A_124 = tpu.memref_slice %arg11[%dma_wait3A_122, %dma_wait3A_123] : memref<512x32xbf16, #tpu.memory_space<vmem>> -> memref<128x32xbf16, #tpu.memory_space<vmem>>
    %dma_wait3A_125 = arith.constant 0 : i32
    %dma_wait3A_126 = tpu.memref_slice %arg9[%dma_wait3A_121, %dma_wait3A_125] : memref<4x128xi32, #tpu.memory_space<vmem>> -> memref<1x128xi32, #tpu.memory_space<vmem>>
    %dma_wait3A_127 = tpu.memref_squeeze %dma_wait3A_126 : memref<1x128xi32, #tpu.memory_space<vmem>> -> memref<128xi32, #tpu.memory_space<vmem>>
    %dma_wait3A_128 = arith.constant 0 : i32
    %dma_wait3A_129 = arith.constant 0 : i32
    %dma_wait3A_130 = tpu.memref_slice %arg4[%dma_wait3A_128, %dma_wait3A_129] : memref<1000000x32xbf16, #tpu.memory_space<hbm>> -> memref<1000000x32xbf16, #tpu.memory_space<hbm>>
    tpu.wait_indirect_dma semaphore(%arg17 : memref<!tpu.dma_semaphore, #tpu.memory_space<semaphore_mem>>) src(%dma_wait3A_130 : memref<1000000x32xbf16, #tpu.memory_space<hbm>>) dst(%dma_wait3A_124 : memref<128x32xbf16, #tpu.memory_space<vmem>>)
    %dma_wait3A_131 = arith.constant 2 : i32
    %dma_wait3A_132 = arith.constant 256 : i32
    %dma_wait3A_133 = arith.constant 0 : i32
    %dma_wait3A_134 = tpu.memref_slice %arg12[%dma_wait3A_132, %dma_wait3A_133] : memref<512x32xbf16, #tpu.memory_space<vmem>> -> memref<128x32xbf16, #tpu.memory_space<vmem>>
    %dma_wait3A_135 = arith.constant 0 : i32
    %dma_wait3A_136 = tpu.memref_slice %arg10[%dma_wait3A_131, %dma_wait3A_135] : memref<4x128xi32, #tpu.memory_space<vmem>> -> memref<1x128xi32, #tpu.memory_space<vmem>>
    %dma_wait3A_137 = tpu.memref_squeeze %dma_wait3A_136 : memref<1x128xi32, #tpu.memory_space<vmem>> -> memref<128xi32, #tpu.memory_space<vmem>>
    %dma_wait3A_138 = arith.constant 0 : i32
    %dma_wait3A_139 = arith.constant 0 : i32
    %dma_wait3A_140 = tpu.memref_slice %arg5[%dma_wait3A_138, %dma_wait3A_139] : memref<1000000x32xbf16, #tpu.memory_space<hbm>> -> memref<1000000x32xbf16, #tpu.memory_space<hbm>>
    tpu.wait_indirect_dma semaphore(%arg17 : memref<!tpu.dma_semaphore, #tpu.memory_space<semaphore_mem>>) src(%dma_wait3A_140 : memref<1000000x32xbf16, #tpu.memory_space<hbm>>) dst(%dma_wait3A_134 : memref<128x32xbf16, #tpu.memory_space<vmem>>)
    %dma_wait3A_141 = arith.constant 3 : i32
    %dma_wait3A_142 = arith.constant 384 : i32
    %dma_wait3A_143 = arith.constant 0 : i32
    %dma_wait3A_144 = tpu.memref_slice %arg11[%dma_wait3A_142, %dma_wait3A_143] : memref<512x32xbf16, #tpu.memory_space<vmem>> -> memref<128x32xbf16, #tpu.memory_space<vmem>>
    %dma_wait3A_145 = arith.constant 0 : i32
    %dma_wait3A_146 = tpu.memref_slice %arg9[%dma_wait3A_141, %dma_wait3A_145] : memref<4x128xi32, #tpu.memory_space<vmem>> -> memref<1x128xi32, #tpu.memory_space<vmem>>
    %dma_wait3A_147 = tpu.memref_squeeze %dma_wait3A_146 : memref<1x128xi32, #tpu.memory_space<vmem>> -> memref<128xi32, #tpu.memory_space<vmem>>
    %dma_wait3A_148 = arith.constant 0 : i32
    %dma_wait3A_149 = arith.constant 0 : i32
    %dma_wait3A_150 = tpu.memref_slice %arg4[%dma_wait3A_148, %dma_wait3A_149] : memref<1000000x32xbf16, #tpu.memory_space<hbm>> -> memref<1000000x32xbf16, #tpu.memory_space<hbm>>
    tpu.wait_indirect_dma semaphore(%arg17 : memref<!tpu.dma_semaphore, #tpu.memory_space<semaphore_mem>>) src(%dma_wait3A_150 : memref<1000000x32xbf16, #tpu.memory_space<hbm>>) dst(%dma_wait3A_144 : memref<128x32xbf16, #tpu.memory_space<vmem>>)
    %dma_wait3A_151 = arith.constant 3 : i32
    %dma_wait3A_152 = arith.constant 384 : i32
    %dma_wait3A_153 = arith.constant 0 : i32
    %dma_wait3A_154 = tpu.memref_slice %arg12[%dma_wait3A_152, %dma_wait3A_153] : memref<512x32xbf16, #tpu.memory_space<vmem>> -> memref<128x32xbf16, #tpu.memory_space<vmem>>
    %dma_wait3A_155 = arith.constant 0 : i32
    %dma_wait3A_156 = tpu.memref_slice %arg10[%dma_wait3A_151, %dma_wait3A_155] : memref<4x128xi32, #tpu.memory_space<vmem>> -> memref<1x128xi32, #tpu.memory_space<vmem>>
    %dma_wait3A_157 = tpu.memref_squeeze %dma_wait3A_156 : memref<1x128xi32, #tpu.memory_space<vmem>> -> memref<128xi32, #tpu.memory_space<vmem>>
    %dma_wait3A_158 = arith.constant 0 : i32
    %dma_wait3A_159 = arith.constant 0 : i32
    %dma_wait3A_160 = tpu.memref_slice %arg5[%dma_wait3A_158, %dma_wait3A_159] : memref<1000000x32xbf16, #tpu.memory_space<hbm>> -> memref<1000000x32xbf16, #tpu.memory_space<hbm>>
    tpu.wait_indirect_dma semaphore(%arg17 : memref<!tpu.dma_semaphore, #tpu.memory_space<semaphore_mem>>) src(%dma_wait3A_160 : memref<1000000x32xbf16, #tpu.memory_space<hbm>>) dst(%dma_wait3A_154 : memref<128x32xbf16, #tpu.memory_space<vmem>>)
    %get3A = arith.constant 0 : index
    %get3A_161 = tpu.vector_load %arg14[%get3A] {strides = array<i32>} : memref<16xf32, #tpu.memory_space<vmem>>, vector<16xf32>,
    %get3A_162 = arith.constant 0 : index
    %get3A_163 = tpu.vector_load %arg13[%get3A_162] {strides = array<i32>} : memref<32xf32, #tpu.memory_space<vmem>>, vector<16xf32>,
    %get3A_164 = arith.constant 16 : index
    %get3A_165 = tpu.vector_load %arg13[%get3A_164] {strides = array<i32>} : memref<32xf32, #tpu.memory_space<vmem>>, vector<16xf32>,
    %iota3A = tpu.iota {dimensions = array<i32: 0>} : vector<16xi32>
    %scan3A = arith.constant 0 : i32
    %scan3A_166 = arith.constant 0 : i32
    %scan3A_167 = arith.constant 32 : i32
    %scan3A_168 = arith.addi %scan3A_166, %scan3A_167 : i32
    %scan3A_169 = arith.constant 1 : i32
    scf.for %scan3A_171 = %scan3A_166 to %scan3A_168 step %scan3A_169  : i32 {
      %mul3A_172 = arith.constant 16 : i32
      %mul3A_173 = arith.muli %scan3A_171, %mul3A_172 : i32
      %add3A_174 = arith.constant 0 : i32
      %add3A_175 = arith.addi %mul3A_173, %add3A_174 : i32
      %get3A_176 = arith.index_cast %add3A_175 : i32 to index
      %get3A_177 = arith.constant 0 : index
      %get3A_178 = tpu.vector_load %arg11[%get3A_176, %get3A_177] {strides = array<i32>} : memref<512x32xbf16, #tpu.memory_space<vmem>>, vector<32xbf16>,
      %unpack3A = tpu.unpack_subelements %get3A_178, 0 {pack_format = #tpu.pack_format<interleaved>} : vector<32xbf16> -> vector<16xf32>
      %unpack3A_179 = tpu.unpack_subelements %get3A_178, 1 {pack_format = #tpu.pack_format<interleaved>} : vector<32xbf16> -> vector<16xf32>
      %get3A_180 = arith.index_cast %add3A_175 : i32 to index
      %get3A_181 = arith.constant 0 : index
      %get3A_182 = tpu.vector_load %arg12[%get3A_180, %get3A_181] {strides = array<i32>} : memref<512x32xbf16, #tpu.memory_space<vmem>>, vector<32xbf16>,
      %unpack3A_183 = tpu.unpack_subelements %get3A_182, 0 {pack_format = #tpu.pack_format<interleaved>} : vector<32xbf16> -> vector<16xf32>
      %unpack3A_184 = tpu.unpack_subelements %get3A_182, 1 {pack_format = #tpu.pack_format<interleaved>} : vector<32xbf16> -> vector<16xf32>
      %mul3A_185 = arith.mulf %unpack3A, %unpack3A_183 : vector<16xf32>
      %mul3A_186 = arith.mulf %mul3A_185, %get3A_163 : vector<16xf32>
      %mul3A_187 = arith.mulf %unpack3A_179, %unpack3A_184 : vector<16xf32>
      %mul3A_188 = arith.mulf %mul3A_187, %get3A_165 : vector<16xf32>
      %add3A_189 = arith.addf %mul3A_186, %mul3A_188 : vector<16xf32>
      %mul3A_190 = arith.constant 16 : i32
      %mul3A_191 = arith.muli %add3A_175, %mul3A_190 : i32
      %multiple_of3A = tpu.assume_multiple %mul3A_191, 16 : i32
      %swap3A = arith.index_cast %multiple_of3A : i32 to index
      %swap3A_192 = tpu.vector_load %arg15[%swap3A] {strides = array<i32>} : memref<8192xf32, #tpu.memory_space<vmem>>, vector<16xf32>,
      tpu.vector_store %arg15[%swap3A], %add3A_189 {strides = array<i32>} : memref<8192xf32, #tpu.memory_space<vmem>>, vector<16xf32>,
      %add3A_193 = arith.constant 1 : i32
      %add3A_194 = arith.addi %mul3A_173, %add3A_193 : i32
      %get3A_195 = arith.index_cast %add3A_194 : i32 to index
      %get3A_196 = arith.constant 0 : index
      %get3A_197 = tpu.vector_load %arg11[%get3A_195, %get3A_196] {strides = array<i32>} : memref<512x32xbf16, #tpu.memory_space<vmem>>, vector<32xbf16>,
      %unpack3A_198 = tpu.unpack_subelements %get3A_197, 0 {pack_format = #tpu.pack_format<interleaved>} : vector<32xbf16> -> vector<16xf32>
      %unpack3A_199 = tpu.unpack_subelements %get3A_197, 1 {pack_format = #tpu.pack_format<interleaved>} : vector<32xbf16> -> vector<16xf32>
      %get3A_200 = arith.index_cast %add3A_194 : i32 to index
      %get3A_201 = arith.constant 0 : index
      %get3A_202 = tpu.vector_load %arg12[%get3A_200, %get3A_201] {strides = array<i32>} : memref<512x32xbf16, #tpu.memory_space<vmem>>, vector<32xbf16>,
      %unpack3A_203 = tpu.unpack_subelements %get3A_202, 0 {pack_format = #tpu.pack_format<interleaved>} : vector<32xbf16> -> vector<16xf32>
      %unpack3A_204 = tpu.unpack_subelements %get3A_202, 1 {pack_format = #tpu.pack_format<interleaved>} : vector<32xbf16> -> vector<16xf32>
      %mul3A_205 = arith.mulf %unpack3A_198, %unpack3A_203 : vector<16xf32>
      %mul3A_206 = arith.mulf %mul3A_205, %get3A_163 : vector<16xf32>
      %mul3A_207 = arith.mulf %unpack3A_199, %unpack3A_204 : vector<16xf32>
      %mul3A_208 = arith.mulf %mul3A_207, %get3A_165 : vector<16xf32>
      %add3A_209 = arith.addf %mul3A_206, %mul3A_208 : vector<16xf32>
      %mul3A_210 = arith.constant 16 : i32
      %mul3A_211 = arith.muli %add3A_194, %mul3A_210 : i32
      %multiple_of3A_212 = tpu.assume_multiple %mul3A_211, 16 : i32
      %swap3A_213 = arith.index_cast %multiple_of3A_212 : i32 to index
      %swap3A_214 = tpu.vector_load %arg15[%swap3A_213] {strides = array<i32>} : memref<8192xf32, #tpu.memory_space<vmem>>, vector<16xf32>,
      tpu.vector_store %arg15[%swap3A_213], %add3A_209 {strides = array<i32>} : memref<8192xf32, #tpu.memory_space<vmem>>, vector<16xf32>,
      %add3A_215 = arith.constant 2 : i32
      %add3A_216 = arith.addi %mul3A_173, %add3A_215 : i32
      %get3A_217 = arith.index_cast %add3A_216 : i32 to index
      %get3A_218 = arith.constant 0 : index
      %get3A_219 = tpu.vector_load %arg11[%get3A_217, %get3A_218] {strides = array<i32>} : memref<512x32xbf16, #tpu.memory_space<vmem>>, vector<32xbf16>,
      %unpack3A_220 = tpu.unpack_subelements %get3A_219, 0 {pack_format = #tpu.pack_format<interleaved>} : vector<32xbf16> -> vector<16xf32>
      %unpack3A_221 = tpu.unpack_subelements %get3A_219, 1 {pack_format = #tpu.pack_format<interleaved>} : vector<32xbf16> -> vector<16xf32>
      %get3A_222 = arith.index_cast %add3A_216 : i32 to index
      %get3A_223 = arith.constant 0 : index
      %get3A_224 = tpu.vector_load %arg12[%get3A_222, %get3A_223] {strides = array<i32>} : memref<512x32xbf16, #tpu.memory_space<vmem>>, vector<32xbf16>,
      %unpack3A_225 = tpu.unpack_subelements %get3A_224, 0 {pack_format = #tpu.pack_format<interleaved>} : vector<32xbf16> -> vector<16xf32>
      %unpack3A_226 = tpu.unpack_subelements %get3A_224, 1 {pack_format = #tpu.pack_format<interleaved>} : vector<32xbf16> -> vector<16xf32>
      %mul3A_227 = arith.mulf %unpack3A_220, %unpack3A_225 : vector<16xf32>
      %mul3A_228 = arith.mulf %mul3A_227, %get3A_163 : vector<16xf32>
      %mul3A_229 = arith.mulf %unpack3A_221, %unpack3A_226 : vector<16xf32>
      %mul3A_230 = arith.mulf %mul3A_229, %get3A_165 : vector<16xf32>
      %add3A_231 = arith.addf %mul3A_228, %mul3A_230 : vector<16xf32>
      %mul3A_232 = arith.constant 16 : i32
      %mul3A_233 = arith.muli %add3A_216, %mul3A_232 : i32
      %multiple_of3A_234 = tpu.assume_multiple %mul3A_233, 16 : i32
      %swap3A_235 = arith.index_cast %multiple_of3A_234 : i32 to index
      %swap3A_236 = tpu.vector_load %arg15[%swap3A_235] {strides = array<i32>} : memref<8192xf32, #tpu.memory_space<vmem>>, vector<16xf32>,
      tpu.vector_store %arg15[%swap3A_235], %add3A_231 {strides = array<i32>} : memref<8192xf32, #tpu.memory_space<vmem>>, vector<16xf32>,
      %add3A_237 = arith.constant 3 : i32
      %add3A_238 = arith.addi %mul3A_173, %add3A_237 : i32
      %get3A_239 = arith.index_cast %add3A_238 : i32 to index
      %get3A_240 = arith.constant 0 : index
      %get3A_241 = tpu.vector_load %arg11[%get3A_239, %get3A_240] {strides = array<i32>} : memref<512x32xbf16, #tpu.memory_space<vmem>>, vector<32xbf16>,
      %unpack3A_242 = tpu.unpack_subelements %get3A_241, 0 {pack_format = #tpu.pack_format<interleaved>} : vector<32xbf16> -> vector<16xf32>
      %unpack3A_243 = tpu.unpack_subelements %get3A_241, 1 {pack_format = #tpu.pack_format<interleaved>} : vector<32xbf16> -> vector<16xf32>
      %get3A_244 = arith.index_cast %add3A_238 : i32 to index
      %get3A_245 = arith.constant 0 : index
      %get3A_246 = tpu.vector_load %arg12[%get3A_244, %get3A_245] {strides = array<i32>} : memref<512x32xbf16, #tpu.memory_space<vmem>>, vector<32xbf16>,
      %unpack3A_247 = tpu.unpack_subelements %get3A_246, 0 {pack_format = #tpu.pack_format<interleaved>} : vector<32xbf16> -> vector<16xf32>
      %unpack3A_248 = tpu.unpack_subelements %get3A_246, 1 {pack_format = #tpu.pack_format<interleaved>} : vector<32xbf16> -> vector<16xf32>
      %mul3A_249 = arith.mulf %unpack3A_242, %unpack3A_247 : vector<16xf32>
      %mul3A_250 = arith.mulf %mul3A_249, %get3A_163 : vector<16xf32>
      %mul3A_251 = arith.mulf %unpack3A_243, %unpack3A_248 : vector<16xf32>
      %mul3A_252 = arith.mulf %mul3A_251, %get3A_165 : vector<16xf32>
      %add3A_253 = arith.addf %mul3A_250, %mul3A_252 : vector<16xf32>
      %mul3A_254 = arith.constant 16 : i32
      %mul3A_255 = arith.muli %add3A_238, %mul3A_254 : i32
      %multiple_of3A_256 = tpu.assume_multiple %mul3A_255, 16 : i32
      %swap3A_257 = arith.index_cast %multiple_of3A_256 : i32 to index
      %swap3A_258 = tpu.vector_load %arg15[%swap3A_257] {strides = array<i32>} : memref<8192xf32, #tpu.memory_space<vmem>>, vector<16xf32>,
      tpu.vector_store %arg15[%swap3A_257], %add3A_253 {strides = array<i32>} : memref<8192xf32, #tpu.memory_space<vmem>>, vector<16xf32>,
      %add3A_259 = arith.constant 4 : i32
      %add3A_260 = arith.addi %mul3A_173, %add3A_259 : i32
      %get3A_261 = arith.index_cast %add3A_260 : i32 to index
      %get3A_262 = arith.constant 0 : index
      %get3A_263 = tpu.vector_load %arg11[%get3A_261, %get3A_262] {strides = array<i32>} : memref<512x32xbf16, #tpu.memory_space<vmem>>, vector<32xbf16>,
      %unpack3A_264 = tpu.unpack_subelements %get3A_263, 0 {pack_format = #tpu.pack_format<interleaved>} : vector<32xbf16> -> vector<16xf32>
      %unpack3A_265 = tpu.unpack_subelements %get3A_263, 1 {pack_format = #tpu.pack_format<interleaved>} : vector<32xbf16> -> vector<16xf32>
      %get3A_266 = arith.index_cast %add3A_260 : i32 to index
      %get3A_267 = arith.constant 0 : index
      %get3A_268 = tpu.vector_load %arg12[%get3A_266, %get3A_267] {strides = array<i32>} : memref<512x32xbf16, #tpu.memory_space<vmem>>, vector<32xbf16>,
      %unpack3A_269 = tpu.unpack_subelements %get3A_268, 0 {pack_format = #tpu.pack_format<interleaved>} : vector<32xbf16> -> vector<16xf32>
      %unpack3A_270 = tpu.unpack_subelements %get3A_268, 1 {pack_format = #tpu.pack_format<interleaved>} : vector<32xbf16> -> vector<16xf32>
      %mul3A_271 = arith.mulf %unpack3A_264, %unpack3A_269 : vector<16xf32>
      %mul3A_272 = arith.mulf %mul3A_271, %get3A_163 : vector<16xf32>
      %mul3A_273 = arith.mulf %unpack3A_265, %unpack3A_270 : vector<16xf32>
      %mul3A_274 = arith.mulf %mul3A_273, %get3A_165 : vector<16xf32>
      %add3A_275 = arith.addf %mul3A_272, %mul3A_274 : vector<16xf32>
      %mul3A_276 = arith.constant 16 : i32
      %mul3A_277 = arith.muli %add3A_260, %mul3A_276 : i32
      %multiple_of3A_278 = tpu.assume_multiple %mul3A_277, 16 : i32
      %swap3A_279 = arith.index_cast %multiple_of3A_278 : i32 to index
      %swap3A_280 = tpu.vector_load %arg15[%swap3A_279] {strides = array<i32>} : memref<8192xf32, #tpu.memory_space<vmem>>, vector<16xf32>,
      tpu.vector_store %arg15[%swap3A_279], %add3A_275 {strides = array<i32>} : memref<8192xf32, #tpu.memory_space<vmem>>, vector<16xf32>,
      %add3A_281 = arith.constant 5 : i32
      %add3A_282 = arith.addi %mul3A_173, %add3A_281 : i32
      %get3A_283 = arith.index_cast %add3A_282 : i32 to index
      %get3A_284 = arith.constant 0 : index
      %get3A_285 = tpu.vector_load %arg11[%get3A_283, %get3A_284] {strides = array<i32>} : memref<512x32xbf16, #tpu.memory_space<vmem>>, vector<32xbf16>,
      %unpack3A_286 = tpu.unpack_subelements %get3A_285, 0 {pack_format = #tpu.pack_format<interleaved>} : vector<32xbf16> -> vector<16xf32>
      %unpack3A_287 = tpu.unpack_subelements %get3A_285, 1 {pack_format = #tpu.pack_format<interleaved>} : vector<32xbf16> -> vector<16xf32>
      %get3A_288 = arith.index_cast %add3A_282 : i32 to index
      %get3A_289 = arith.constant 0 : index
      %get3A_290 = tpu.vector_load %arg12[%get3A_288, %get3A_289] {strides = array<i32>} : memref<512x32xbf16, #tpu.memory_space<vmem>>, vector<32xbf16>,
      %unpack3A_291 = tpu.unpack_subelements %get3A_290, 0 {pack_format = #tpu.pack_format<interleaved>} : vector<32xbf16> -> vector<16xf32>
      %unpack3A_292 = tpu.unpack_subelements %get3A_290, 1 {pack_format = #tpu.pack_format<interleaved>} : vector<32xbf16> -> vector<16xf32>
      %mul3A_293 = arith.mulf %unpack3A_286, %unpack3A_291 : vector<16xf32>
      %mul3A_294 = arith.mulf %mul3A_293, %get3A_163 : vector<16xf32>
      %mul3A_295 = arith.mulf %unpack3A_287, %unpack3A_292 : vector<16xf32>
      %mul3A_296 = arith.mulf %mul3A_295, %get3A_165 : vector<16xf32>
      %add3A_297 = arith.addf %mul3A_294, %mul3A_296 : vector<16xf32>
      %mul3A_298 = arith.constant 16 : i32
      %mul3A_299 = arith.muli %add3A_282, %mul3A_298 : i32
      %multiple_of3A_300 = tpu.assume_multiple %mul3A_299, 16 : i32
      %swap3A_301 = arith.index_cast %multiple_of3A_300 : i32 to index
      %swap3A_302 = tpu.vector_load %arg15[%swap3A_301] {strides = array<i32>} : memref<8192xf32, #tpu.memory_space<vmem>>, vector<16xf32>,
      tpu.vector_store %arg15[%swap3A_301], %add3A_297 {strides = array<i32>} : memref<8192xf32, #tpu.memory_space<vmem>>, vector<16xf32>,
      %add3A_303 = arith.constant 6 : i32
      %add3A_304 = arith.addi %mul3A_173, %add3A_303 : i32
      %get3A_305 = arith.index_cast %add3A_304 : i32 to index
      %get3A_306 = arith.constant 0 : index
      %get3A_307 = tpu.vector_load %arg11[%get3A_305, %get3A_306] {strides = array<i32>} : memref<512x32xbf16, #tpu.memory_space<vmem>>, vector<32xbf16>,
      %unpack3A_308 = tpu.unpack_subelements %get3A_307, 0 {pack_format = #tpu.pack_format<interleaved>} : vector<32xbf16> -> vector<16xf32>
      %unpack3A_309 = tpu.unpack_subelements %get3A_307, 1 {pack_format = #tpu.pack_format<interleaved>} : vector<32xbf16> -> vector<16xf32>
      %get3A_310 = arith.index_cast %add3A_304 : i32 to index
      %get3A_311 = arith.constant 0 : index
      %get3A_312 = tpu.vector_load %arg12[%get3A_310, %get3A_311] {strides = array<i32>} : memref<512x32xbf16, #tpu.memory_space<vmem>>, vector<32xbf16>,
      %unpack3A_313 = tpu.unpack_subelements %get3A_312, 0 {pack_format = #tpu.pack_format<interleaved>} : vector<32xbf16> -> vector<16xf32>
      %unpack3A_314 = tpu.unpack_subelements %get3A_312, 1 {pack_format = #tpu.pack_format<interleaved>} : vector<32xbf16> -> vector<16xf32>
      %mul3A_315 = arith.mulf %unpack3A_308, %unpack3A_313 : vector<16xf32>
      %mul3A_316 = arith.mulf %mul3A_315, %get3A_163 : vector<16xf32>
      %mul3A_317 = arith.mulf %unpack3A_309, %unpack3A_314 : vector<16xf32>
      %mul3A_318 = arith.mulf %mul3A_317, %get3A_165 : vector<16xf32>
      %add3A_319 = arith.addf %mul3A_316, %mul3A_318 : vector<16xf32>
      %mul3A_320 = arith.constant 16 : i32
      %mul3A_321 = arith.muli %add3A_304, %mul3A_320 : i32
      %multiple_of3A_322 = tpu.assume_multiple %mul3A_321, 16 : i32
      %swap3A_323 = arith.index_cast %multiple_of3A_322 : i32 to index
      %swap3A_324 = tpu.vector_load %arg15[%swap3A_323] {strides = array<i32>} : memref<8192xf32, #tpu.memory_space<vmem>>, vector<16xf32>,
      tpu.vector_store %arg15[%swap3A_323], %add3A_319 {strides = array<i32>} : memref<8192xf32, #tpu.memory_space<vmem>>, vector<16xf32>,
      %add3A_325 = arith.constant 7 : i32
      %add3A_326 = arith.addi %mul3A_173, %add3A_325 : i32
      %get3A_327 = arith.index_cast %add3A_326 : i32 to index
      %get3A_328 = arith.constant 0 : index
      %get3A_329 = tpu.vector_load %arg11[%get3A_327, %get3A_328] {strides = array<i32>} : memref<512x32xbf16, #tpu.memory_space<vmem>>, vector<32xbf16>,
      %unpack3A_330 = tpu.unpack_subelements %get3A_329, 0 {pack_format = #tpu.pack_format<interleaved>} : vector<32xbf16> -> vector<16xf32>
      %unpack3A_331 = tpu.unpack_subelements %get3A_329, 1 {pack_format = #tpu.pack_format<interleaved>} : vector<32xbf16> -> vector<16xf32>
      %get3A_332 = arith.index_cast %add3A_326 : i32 to index
      %get3A_333 = arith.constant 0 : index
      %get3A_334 = tpu.vector_load %arg12[%get3A_332, %get3A_333] {strides = array<i32>} : memref<512x32xbf16, #tpu.memory_space<vmem>>, vector<32xbf16>,
      %unpack3A_335 = tpu.unpack_subelements %get3A_334, 0 {pack_format = #tpu.pack_format<interleaved>} : vector<32xbf16> -> vector<16xf32>
      %unpack3A_336 = tpu.unpack_subelements %get3A_334, 1 {pack_format = #tpu.pack_format<interleaved>} : vector<32xbf16> -> vector<16xf32>
      %mul3A_337 = arith.mulf %unpack3A_330, %unpack3A_335 : vector<16xf32>
      %mul3A_338 = arith.mulf %mul3A_337, %get3A_163 : vector<16xf32>
      %mul3A_339 = arith.mulf %unpack3A_331, %unpack3A_336 : vector<16xf32>
      %mul3A_340 = arith.mulf %mul3A_339, %get3A_165 : vector<16xf32>
      %add3A_341 = arith.addf %mul3A_338, %mul3A_340 : vector<16xf32>
      %mul3A_342 = arith.constant 16 : i32
      %mul3A_343 = arith.muli %add3A_326, %mul3A_342 : i32
      %multiple_of3A_344 = tpu.assume_multiple %mul3A_343, 16 : i32
      %swap3A_345 = arith.index_cast %multiple_of3A_344 : i32 to index
      %swap3A_346 = tpu.vector_load %arg15[%swap3A_345] {strides = array<i32>} : memref<8192xf32, #tpu.memory_space<vmem>>, vector<16xf32>,
      tpu.vector_store %arg15[%swap3A_345], %add3A_341 {strides = array<i32>} : memref<8192xf32, #tpu.memory_space<vmem>>, vector<16xf32>,
      %add3A_347 = arith.constant 8 : i32
      %add3A_348 = arith.addi %mul3A_173, %add3A_347 : i32
      %get3A_349 = arith.index_cast %add3A_348 : i32 to index
      %get3A_350 = arith.constant 0 : index
      %get3A_351 = tpu.vector_load %arg11[%get3A_349, %get3A_350] {strides = array<i32>} : memref<512x32xbf16, #tpu.memory_space<vmem>>, vector<32xbf16>,
      %unpack3A_352 = tpu.unpack_subelements %get3A_351, 0 {pack_format = #tpu.pack_format<interleaved>} : vector<32xbf16> -> vector<16xf32>
      %unpack3A_353 = tpu.unpack_subelements %get3A_351, 1 {pack_format = #tpu.pack_format<interleaved>} : vector<32xbf16> -> vector<16xf32>
      %get3A_354 = arith.index_cast %add3A_348 : i32 to index
      %get3A_355 = arith.constant 0 : index
      %get3A_356 = tpu.vector_load %arg12[%get3A_354, %get3A_355] {strides = array<i32>} : memref<512x32xbf16, #tpu.memory_space<vmem>>, vector<32xbf16>,
      %unpack3A_357 = tpu.unpack_subelements %get3A_356, 0 {pack_format = #tpu.pack_format<interleaved>} : vector<32xbf16> -> vector<16xf32>
      %unpack3A_358 = tpu.unpack_subelements %get3A_356, 1 {pack_format = #tpu.pack_format<interleaved>} : vector<32xbf16> -> vector<16xf32>
      %mul3A_359 = arith.mulf %unpack3A_352, %unpack3A_357 : vector<16xf32>
      %mul3A_360 = arith.mulf %mul3A_359, %get3A_163 : vector<16xf32>
      %mul3A_361 = arith.mulf %unpack3A_353, %unpack3A_358 : vector<16xf32>
      %mul3A_362 = arith.mulf %mul3A_361, %get3A_165 : vector<16xf32>
      %add3A_363 = arith.addf %mul3A_360, %mul3A_362 : vector<16xf32>
      %mul3A_364 = arith.constant 16 : i32
      %mul3A_365 = arith.muli %add3A_348, %mul3A_364 : i32
      %multiple_of3A_366 = tpu.assume_multiple %mul3A_365, 16 : i32
      %swap3A_367 = arith.index_cast %multiple_of3A_366 : i32 to index
      %swap3A_368 = tpu.vector_load %arg15[%swap3A_367] {strides = array<i32>} : memref<8192xf32, #tpu.memory_space<vmem>>, vector<16xf32>,
      tpu.vector_store %arg15[%swap3A_367], %add3A_363 {strides = array<i32>} : memref<8192xf32, #tpu.memory_space<vmem>>, vector<16xf32>,
      %add3A_369 = arith.constant 9 : i32
      %add3A_370 = arith.addi %mul3A_173, %add3A_369 : i32
      %get3A_371 = arith.index_cast %add3A_370 : i32 to index
      %get3A_372 = arith.constant 0 : index
      %get3A_373 = tpu.vector_load %arg11[%get3A_371, %get3A_372] {strides = array<i32>} : memref<512x32xbf16, #tpu.memory_space<vmem>>, vector<32xbf16>,
      %unpack3A_374 = tpu.unpack_subelements %get3A_373, 0 {pack_format = #tpu.pack_format<interleaved>} : vector<32xbf16> -> vector<16xf32>
      %unpack3A_375 = tpu.unpack_subelements %get3A_373, 1 {pack_format = #tpu.pack_format<interleaved>} : vector<32xbf16> -> vector<16xf32>
      %get3A_376 = arith.index_cast %add3A_370 : i32 to index
      %get3A_377 = arith.constant 0 : index
      %get3A_378 = tpu.vector_load %arg12[%get3A_376, %get3A_377] {strides = array<i32>} : memref<512x32xbf16, #tpu.memory_space<vmem>>, vector<32xbf16>,
      %unpack3A_379 = tpu.unpack_subelements %get3A_378, 0 {pack_format = #tpu.pack_format<interleaved>} : vector<32xbf16> -> vector<16xf32>
      %unpack3A_380 = tpu.unpack_subelements %get3A_378, 1 {pack_format = #tpu.pack_format<interleaved>} : vector<32xbf16> -> vector<16xf32>
      %mul3A_381 = arith.mulf %unpack3A_374, %unpack3A_379 : vector<16xf32>
      %mul3A_382 = arith.mulf %mul3A_381, %get3A_163 : vector<16xf32>
      %mul3A_383 = arith.mulf %unpack3A_375, %unpack3A_380 : vector<16xf32>
      %mul3A_384 = arith.mulf %mul3A_383, %get3A_165 : vector<16xf32>
      %add3A_385 = arith.addf %mul3A_382, %mul3A_384 : vector<16xf32>
      %mul3A_386 = arith.constant 16 : i32
      %mul3A_387 = arith.muli %add3A_370, %mul3A_386 : i32
      %multiple_of3A_388 = tpu.assume_multiple %mul3A_387, 16 : i32
      %swap3A_389 = arith.index_cast %multiple_of3A_388 : i32 to index
      %swap3A_390 = tpu.vector_load %arg15[%swap3A_389] {strides = array<i32>} : memref<8192xf32, #tpu.memory_space<vmem>>, vector<16xf32>,
      tpu.vector_store %arg15[%swap3A_389], %add3A_385 {strides = array<i32>} : memref<8192xf32, #tpu.memory_space<vmem>>, vector<16xf32>,
      %add3A_391 = arith.constant 10 : i32
      %add3A_392 = arith.addi %mul3A_173, %add3A_391 : i32
      %get3A_393 = arith.index_cast %add3A_392 : i32 to index
      %get3A_394 = arith.constant 0 : index
      %get3A_395 = tpu.vector_load %arg11[%get3A_393, %get3A_394] {strides = array<i32>} : memref<512x32xbf16, #tpu.memory_space<vmem>>, vector<32xbf16>,
      %unpack3A_396 = tpu.unpack_subelements %get3A_395, 0 {pack_format = #tpu.pack_format<interleaved>} : vector<32xbf16> -> vector<16xf32>
      %unpack3A_397 = tpu.unpack_subelements %get3A_395, 1 {pack_format = #tpu.pack_format<interleaved>} : vector<32xbf16> -> vector<16xf32>
      %get3A_398 = arith.index_cast %add3A_392 : i32 to index
      %get3A_399 = arith.constant 0 : index
      %get3A_400 = tpu.vector_load %arg12[%get3A_398, %get3A_399] {strides = array<i32>} : memref<512x32xbf16, #tpu.memory_space<vmem>>, vector<32xbf16>,
      %unpack3A_401 = tpu.unpack_subelements %get3A_400, 0 {pack_format = #tpu.pack_format<interleaved>} : vector<32xbf16> -> vector<16xf32>
      %unpack3A_402 = tpu.unpack_subelements %get3A_400, 1 {pack_format = #tpu.pack_format<interleaved>} : vector<32xbf16> -> vector<16xf32>
      %mul3A_403 = arith.mulf %unpack3A_396, %unpack3A_401 : vector<16xf32>
      %mul3A_404 = arith.mulf %mul3A_403, %get3A_163 : vector<16xf32>
      %mul3A_405 = arith.mulf %unpack3A_397, %unpack3A_402 : vector<16xf32>
      %mul3A_406 = arith.mulf %mul3A_405, %get3A_165 : vector<16xf32>
      %add3A_407 = arith.addf %mul3A_404, %mul3A_406 : vector<16xf32>
      %mul3A_408 = arith.constant 16 : i32
      %mul3A_409 = arith.muli %add3A_392, %mul3A_408 : i32
      %multiple_of3A_410 = tpu.assume_multiple %mul3A_409, 16 : i32
      %swap3A_411 = arith.index_cast %multiple_of3A_410 : i32 to index
      %swap3A_412 = tpu.vector_load %arg15[%swap3A_411] {strides = array<i32>} : memref<8192xf32, #tpu.memory_space<vmem>>, vector<16xf32>,
      tpu.vector_store %arg15[%swap3A_411], %add3A_407 {strides = array<i32>} : memref<8192xf32, #tpu.memory_space<vmem>>, vector<16xf32>,
      %add3A_413 = arith.constant 11 : i32
      %add3A_414 = arith.addi %mul3A_173, %add3A_413 : i32
      %get3A_415 = arith.index_cast %add3A_414 : i32 to index
      %get3A_416 = arith.constant 0 : index
      %get3A_417 = tpu.vector_load %arg11[%get3A_415, %get3A_416] {strides = array<i32>} : memref<512x32xbf16, #tpu.memory_space<vmem>>, vector<32xbf16>,
      %unpack3A_418 = tpu.unpack_subelements %get3A_417, 0 {pack_format = #tpu.pack_format<interleaved>} : vector<32xbf16> -> vector<16xf32>
      %unpack3A_419 = tpu.unpack_subelements %get3A_417, 1 {pack_format = #tpu.pack_format<interleaved>} : vector<32xbf16> -> vector<16xf32>
      %get3A_420 = arith.index_cast %add3A_414 : i32 to index
      %get3A_421 = arith.constant 0 : index
      %get3A_422 = tpu.vector_load %arg12[%get3A_420, %get3A_421] {strides = array<i32>} : memref<512x32xbf16, #tpu.memory_space<vmem>>, vector<32xbf16>,
      %unpack3A_423 = tpu.unpack_subelements %get3A_422, 0 {pack_format = #tpu.pack_format<interleaved>} : vector<32xbf16> -> vector<16xf32>
      %unpack3A_424 = tpu.unpack_subelements %get3A_422, 1 {pack_format = #tpu.pack_format<interleaved>} : vector<32xbf16> -> vector<16xf32>
      %mul3A_425 = arith.mulf %unpack3A_418, %unpack3A_423 : vector<16xf32>
      %mul3A_426 = arith.mulf %mul3A_425, %get3A_163 : vector<16xf32>
      %mul3A_427 = arith.mulf %unpack3A_419, %unpack3A_424 : vector<16xf32>
      %mul3A_428 = arith.mulf %mul3A_427, %get3A_165 : vector<16xf32>
      %add3A_429 = arith.addf %mul3A_426, %mul3A_428 : vector<16xf32>
      %mul3A_430 = arith.constant 16 : i32
      %mul3A_431 = arith.muli %add3A_414, %mul3A_430 : i32
      %multiple_of3A_432 = tpu.assume_multiple %mul3A_431, 16 : i32
      %swap3A_433 = arith.index_cast %multiple_of3A_432 : i32 to index
      %swap3A_434 = tpu.vector_load %arg15[%swap3A_433] {strides = array<i32>} : memref<8192xf32, #tpu.memory_space<vmem>>, vector<16xf32>,
      tpu.vector_store %arg15[%swap3A_433], %add3A_429 {strides = array<i32>} : memref<8192xf32, #tpu.memory_space<vmem>>, vector<16xf32>,
      %add3A_435 = arith.constant 12 : i32
      %add3A_436 = arith.addi %mul3A_173, %add3A_435 : i32
      %get3A_437 = arith.index_cast %add3A_436 : i32 to index
      %get3A_438 = arith.constant 0 : index
      %get3A_439 = tpu.vector_load %arg11[%get3A_437, %get3A_438] {strides = array<i32>} : memref<512x32xbf16, #tpu.memory_space<vmem>>, vector<32xbf16>,
      %unpack3A_440 = tpu.unpack_subelements %get3A_439, 0 {pack_format = #tpu.pack_format<interleaved>} : vector<32xbf16> -> vector<16xf32>
      %unpack3A_441 = tpu.unpack_subelements %get3A_439, 1 {pack_format = #tpu.pack_format<interleaved>} : vector<32xbf16> -> vector<16xf32>
      %get3A_442 = arith.index_cast %add3A_436 : i32 to index
      %get3A_443 = arith.constant 0 : index
      %get3A_444 = tpu.vector_load %arg12[%get3A_442, %get3A_443] {strides = array<i32>} : memref<512x32xbf16, #tpu.memory_space<vmem>>, vector<32xbf16>,
      %unpack3A_445 = tpu.unpack_subelements %get3A_444, 0 {pack_format = #tpu.pack_format<interleaved>} : vector<32xbf16> -> vector<16xf32>
      %unpack3A_446 = tpu.unpack_subelements %get3A_444, 1 {pack_format = #tpu.pack_format<interleaved>} : vector<32xbf16> -> vector<16xf32>
      %mul3A_447 = arith.mulf %unpack3A_440, %unpack3A_445 : vector<16xf32>
      %mul3A_448 = arith.mulf %mul3A_447, %get3A_163 : vector<16xf32>
      %mul3A_449 = arith.mulf %unpack3A_441, %unpack3A_446 : vector<16xf32>
      %mul3A_450 = arith.mulf %mul3A_449, %get3A_165 : vector<16xf32>
      %add3A_451 = arith.addf %mul3A_448, %mul3A_450 : vector<16xf32>
      %mul3A_452 = arith.constant 16 : i32
      %mul3A_453 = arith.muli %add3A_436, %mul3A_452 : i32
      %multiple_of3A_454 = tpu.assume_multiple %mul3A_453, 16 : i32
      %swap3A_455 = arith.index_cast %multiple_of3A_454 : i32 to index
      %swap3A_456 = tpu.vector_load %arg15[%swap3A_455] {strides = array<i32>} : memref<8192xf32, #tpu.memory_space<vmem>>, vector<16xf32>,
      tpu.vector_store %arg15[%swap3A_455], %add3A_451 {strides = array<i32>} : memref<8192xf32, #tpu.memory_space<vmem>>, vector<16xf32>,
      %add3A_457 = arith.constant 13 : i32
      %add3A_458 = arith.addi %mul3A_173, %add3A_457 : i32
      %get3A_459 = arith.index_cast %add3A_458 : i32 to index
      %get3A_460 = arith.constant 0 : index
      %get3A_461 = tpu.vector_load %arg11[%get3A_459, %get3A_460] {strides = array<i32>} : memref<512x32xbf16, #tpu.memory_space<vmem>>, vector<32xbf16>,
      %unpack3A_462 = tpu.unpack_subelements %get3A_461, 0 {pack_format = #tpu.pack_format<interleaved>} : vector<32xbf16> -> vector<16xf32>
      %unpack3A_463 = tpu.unpack_subelements %get3A_461, 1 {pack_format = #tpu.pack_format<interleaved>} : vector<32xbf16> -> vector<16xf32>
      %get3A_464 = arith.index_cast %add3A_458 : i32 to index
      %get3A_465 = arith.constant 0 : index
      %get3A_466 = tpu.vector_load %arg12[%get3A_464, %get3A_465] {strides = array<i32>} : memref<512x32xbf16, #tpu.memory_space<vmem>>, vector<32xbf16>,
      %unpack3A_467 = tpu.unpack_subelements %get3A_466, 0 {pack_format = #tpu.pack_format<interleaved>} : vector<32xbf16> -> vector<16xf32>
      %unpack3A_468 = tpu.unpack_subelements %get3A_466, 1 {pack_format = #tpu.pack_format<interleaved>} : vector<32xbf16> -> vector<16xf32>
      %mul3A_469 = arith.mulf %unpack3A_462, %unpack3A_467 : vector<16xf32>
      %mul3A_470 = arith.mulf %mul3A_469, %get3A_163 : vector<16xf32>
      %mul3A_471 = arith.mulf %unpack3A_463, %unpack3A_468 : vector<16xf32>
      %mul3A_472 = arith.mulf %mul3A_471, %get3A_165 : vector<16xf32>
      %add3A_473 = arith.addf %mul3A_470, %mul3A_472 : vector<16xf32>
      %mul3A_474 = arith.constant 16 : i32
      %mul3A_475 = arith.muli %add3A_458, %mul3A_474 : i32
      %multiple_of3A_476 = tpu.assume_multiple %mul3A_475, 16 : i32
      %swap3A_477 = arith.index_cast %multiple_of3A_476 : i32 to index
      %swap3A_478 = tpu.vector_load %arg15[%swap3A_477] {strides = array<i32>} : memref<8192xf32, #tpu.memory_space<vmem>>, vector<16xf32>,
      tpu.vector_store %arg15[%swap3A_477], %add3A_473 {strides = array<i32>} : memref<8192xf32, #tpu.memory_space<vmem>>, vector<16xf32>,
      %add3A_479 = arith.constant 14 : i32
      %add3A_480 = arith.addi %mul3A_173, %add3A_479 : i32
      %get3A_481 = arith.index_cast %add3A_480 : i32 to index
      %get3A_482 = arith.constant 0 : index
      %get3A_483 = tpu.vector_load %arg11[%get3A_481, %get3A_482] {strides = array<i32>} : memref<512x32xbf16, #tpu.memory_space<vmem>>, vector<32xbf16>,
      %unpack3A_484 = tpu.unpack_subelements %get3A_483, 0 {pack_format = #tpu.pack_format<interleaved>} : vector<32xbf16> -> vector<16xf32>
      %unpack3A_485 = tpu.unpack_subelements %get3A_483, 1 {pack_format = #tpu.pack_format<interleaved>} : vector<32xbf16> -> vector<16xf32>
      %get3A_486 = arith.index_cast %add3A_480 : i32 to index
      %get3A_487 = arith.constant 0 : index
      %get3A_488 = tpu.vector_load %arg12[%get3A_486, %get3A_487] {strides = array<i32>} : memref<512x32xbf16, #tpu.memory_space<vmem>>, vector<32xbf16>,
      %unpack3A_489 = tpu.unpack_subelements %get3A_488, 0 {pack_format = #tpu.pack_format<interleaved>} : vector<32xbf16> -> vector<16xf32>
      %unpack3A_490 = tpu.unpack_subelements %get3A_488, 1 {pack_format = #tpu.pack_format<interleaved>} : vector<32xbf16> -> vector<16xf32>
      %mul3A_491 = arith.mulf %unpack3A_484, %unpack3A_489 : vector<16xf32>
      %mul3A_492 = arith.mulf %mul3A_491, %get3A_163 : vector<16xf32>
      %mul3A_493 = arith.mulf %unpack3A_485, %unpack3A_490 : vector<16xf32>
      %mul3A_494 = arith.mulf %mul3A_493, %get3A_165 : vector<16xf32>
      %add3A_495 = arith.addf %mul3A_492, %mul3A_494 : vector<16xf32>
      %mul3A_496 = arith.constant 16 : i32
      %mul3A_497 = arith.muli %add3A_480, %mul3A_496 : i32
      %multiple_of3A_498 = tpu.assume_multiple %mul3A_497, 16 : i32
      %swap3A_499 = arith.index_cast %multiple_of3A_498 : i32 to index
      %swap3A_500 = tpu.vector_load %arg15[%swap3A_499] {strides = array<i32>} : memref<8192xf32, #tpu.memory_space<vmem>>, vector<16xf32>,
      tpu.vector_store %arg15[%swap3A_499], %add3A_495 {strides = array<i32>} : memref<8192xf32, #tpu.memory_space<vmem>>, vector<16xf32>,
      %add3A_501 = arith.constant 15 : i32
      %add3A_502 = arith.addi %mul3A_173, %add3A_501 : i32
      %get3A_503 = arith.index_cast %add3A_502 : i32 to index
      %get3A_504 = arith.constant 0 : index
      %get3A_505 = tpu.vector_load %arg11[%get3A_503, %get3A_504] {strides = array<i32>} : memref<512x32xbf16, #tpu.memory_space<vmem>>, vector<32xbf16>,
      %unpack3A_506 = tpu.unpack_subelements %get3A_505, 0 {pack_format = #tpu.pack_format<interleaved>} : vector<32xbf16> -> vector<16xf32>
      %unpack3A_507 = tpu.unpack_subelements %get3A_505, 1 {pack_format = #tpu.pack_format<interleaved>} : vector<32xbf16> -> vector<16xf32>
      %get3A_508 = arith.index_cast %add3A_502 : i32 to index
      %get3A_509 = arith.constant 0 : index
      %get3A_510 = tpu.vector_load %arg12[%get3A_508, %get3A_509] {strides = array<i32>} : memref<512x32xbf16, #tpu.memory_space<vmem>>, vector<32xbf16>,
      %unpack3A_511 = tpu.unpack_subelements %get3A_510, 0 {pack_format = #tpu.pack_format<interleaved>} : vector<32xbf16> -> vector<16xf32>
      %unpack3A_512 = tpu.unpack_subelements %get3A_510, 1 {pack_format = #tpu.pack_format<interleaved>} : vector<32xbf16> -> vector<16xf32>
      %mul3A_513 = arith.mulf %unpack3A_506, %unpack3A_511 : vector<16xf32>
      %mul3A_514 = arith.mulf %mul3A_513, %get3A_163 : vector<16xf32>
      %mul3A_515 = arith.mulf %unpack3A_507, %unpack3A_512 : vector<16xf32>
      %mul3A_516 = arith.mulf %mul3A_515, %get3A_165 : vector<16xf32>
      %add3A_517 = arith.addf %mul3A_514, %mul3A_516 : vector<16xf32>
      %mul3A_518 = arith.constant 16 : i32
      %mul3A_519 = arith.muli %add3A_502, %mul3A_518 : i32
      %multiple_of3A_520 = tpu.assume_multiple %mul3A_519, 16 : i32
      %swap3A_521 = arith.index_cast %multiple_of3A_520 : i32 to index
      %swap3A_522 = tpu.vector_load %arg15[%swap3A_521] {strides = array<i32>} : memref<8192xf32, #tpu.memory_space<vmem>>, vector<16xf32>,
      tpu.vector_store %arg15[%swap3A_521], %add3A_517 {strides = array<i32>} : memref<8192xf32, #tpu.memory_space<vmem>>, vector<16xf32>,
      %mul3A_523 = arith.constant 16 : i32
      %mul3A_524 = arith.muli %mul3A_173, %mul3A_523 : i32
      %mul3A_525 = arith.constant 16 : i32
      %mul3A_526 = vector.broadcast %mul3A_525 : i32 to vector<16xi32>
      %mul3A_527 = arith.muli %iota3A, %mul3A_526 : vector<16xi32>
      %add3A_528 = vector.broadcast %mul3A_524 : i32 to vector<16xi32>
      %add3A_529 = arith.addi %add3A_528, %mul3A_527 : vector<16xi32>
      %add3A_530 = arith.constant 0 : i32
      %add3A_531 = vector.broadcast %add3A_530 : i32 to vector<16xi32>
      %add3A_532 = arith.addi %add3A_529, %add3A_531 : vector<16xi32>
      %gather3A = tpu.vector_load_idx %arg15[%add3A_532] : memref<8192xf32, #tpu.memory_space<vmem>>[vector<16xi32>], vector<16xf32>,
      %add3A_533 = arith.addf %get3A_161, %gather3A : vector<16xf32>
      %add3A_534 = arith.constant 1 : i32
      %add3A_535 = vector.broadcast %add3A_534 : i32 to vector<16xi32>
      %add3A_536 = arith.addi %add3A_529, %add3A_535 : vector<16xi32>
      %gather3A_537 = tpu.vector_load_idx %arg15[%add3A_536] : memref<8192xf32, #tpu.memory_space<vmem>>[vector<16xi32>], vector<16xf32>,
      %add3A_538 = arith.addf %add3A_533, %gather3A_537 : vector<16xf32>
      %add3A_539 = arith.constant 2 : i32
      %add3A_540 = vector.broadcast %add3A_539 : i32 to vector<16xi32>
      %add3A_541 = arith.addi %add3A_529, %add3A_540 : vector<16xi32>
      %gather3A_542 = tpu.vector_load_idx %arg15[%add3A_541] : memref<8192xf32, #tpu.memory_space<vmem>>[vector<16xi32>], vector<16xf32>,
      %add3A_543 = arith.addf %add3A_538, %gather3A_542 : vector<16xf32>
      %add3A_544 = arith.constant 3 : i32
      %add3A_545 = vector.broadcast %add3A_544 : i32 to vector<16xi32>
      %add3A_546 = arith.addi %add3A_529, %add3A_545 : vector<16xi32>
      %gather3A_547 = tpu.vector_load_idx %arg15[%add3A_546] : memref<8192xf32, #tpu.memory_space<vmem>>[vector<16xi32>], vector<16xf32>,
      %add3A_548 = arith.addf %add3A_543, %gather3A_547 : vector<16xf32>
      %add3A_549 = arith.constant 4 : i32
      %add3A_550 = vector.broadcast %add3A_549 : i32 to vector<16xi32>
      %add3A_551 = arith.addi %add3A_529, %add3A_550 : vector<16xi32>
      %gather3A_552 = tpu.vector_load_idx %arg15[%add3A_551] : memref<8192xf32, #tpu.memory_space<vmem>>[vector<16xi32>], vector<16xf32>,
      %add3A_553 = arith.addf %add3A_548, %gather3A_552 : vector<16xf32>
      %add3A_554 = arith.constant 5 : i32
      %add3A_555 = vector.broadcast %add3A_554 : i32 to vector<16xi32>
      %add3A_556 = arith.addi %add3A_529, %add3A_555 : vector<16xi32>
      %gather3A_557 = tpu.vector_load_idx %arg15[%add3A_556] : memref<8192xf32, #tpu.memory_space<vmem>>[vector<16xi32>], vector<16xf32>,
      %add3A_558 = arith.addf %add3A_553, %gather3A_557 : vector<16xf32>
      %add3A_559 = arith.constant 6 : i32
      %add3A_560 = vector.broadcast %add3A_559 : i32 to vector<16xi32>
      %add3A_561 = arith.addi %add3A_529, %add3A_560 : vector<16xi32>
      %gather3A_562 = tpu.vector_load_idx %arg15[%add3A_561] : memref<8192xf32, #tpu.memory_space<vmem>>[vector<16xi32>], vector<16xf32>,
      %add3A_563 = arith.addf %add3A_558, %gather3A_562 : vector<16xf32>
      %add3A_564 = arith.constant 7 : i32
      %add3A_565 = vector.broadcast %add3A_564 : i32 to vector<16xi32>
      %add3A_566 = arith.addi %add3A_529, %add3A_565 : vector<16xi32>
      %gather3A_567 = tpu.vector_load_idx %arg15[%add3A_566] : memref<8192xf32, #tpu.memory_space<vmem>>[vector<16xi32>], vector<16xf32>,
      %add3A_568 = arith.addf %add3A_563, %gather3A_567 : vector<16xf32>
      %add3A_569 = arith.constant 8 : i32
      %add3A_570 = vector.broadcast %add3A_569 : i32 to vector<16xi32>
      %add3A_571 = arith.addi %add3A_529, %add3A_570 : vector<16xi32>
      %gather3A_572 = tpu.vector_load_idx %arg15[%add3A_571] : memref<8192xf32, #tpu.memory_space<vmem>>[vector<16xi32>], vector<16xf32>,
      %add3A_573 = arith.addf %add3A_568, %gather3A_572 : vector<16xf32>
      %add3A_574 = arith.constant 9 : i32
      %add3A_575 = vector.broadcast %add3A_574 : i32 to vector<16xi32>
      %add3A_576 = arith.addi %add3A_529, %add3A_575 : vector<16xi32>
      %gather3A_577 = tpu.vector_load_idx %arg15[%add3A_576] : memref<8192xf32, #tpu.memory_space<vmem>>[vector<16xi32>], vector<16xf32>,
      %add3A_578 = arith.addf %add3A_573, %gather3A_577 : vector<16xf32>
      %add3A_579 = arith.constant 10 : i32
      %add3A_580 = vector.broadcast %add3A_579 : i32 to vector<16xi32>
      %add3A_581 = arith.addi %add3A_529, %add3A_580 : vector<16xi32>
      %gather3A_582 = tpu.vector_load_idx %arg15[%add3A_581] : memref<8192xf32, #tpu.memory_space<vmem>>[vector<16xi32>], vector<16xf32>,
      %add3A_583 = arith.addf %add3A_578, %gather3A_582 : vector<16xf32>
      %add3A_584 = arith.constant 11 : i32
      %add3A_585 = vector.broadcast %add3A_584 : i32 to vector<16xi32>
      %add3A_586 = arith.addi %add3A_529, %add3A_585 : vector<16xi32>
      %gather3A_587 = tpu.vector_load_idx %arg15[%add3A_586] : memref<8192xf32, #tpu.memory_space<vmem>>[vector<16xi32>], vector<16xf32>,
      %add3A_588 = arith.addf %add3A_583, %gather3A_587 : vector<16xf32>
      %add3A_589 = arith.constant 12 : i32
      %add3A_590 = vector.broadcast %add3A_589 : i32 to vector<16xi32>
      %add3A_591 = arith.addi %add3A_529, %add3A_590 : vector<16xi32>
      %gather3A_592 = tpu.vector_load_idx %arg15[%add3A_591] : memref<8192xf32, #tpu.memory_space<vmem>>[vector<16xi32>], vector<16xf32>,
      %add3A_593 = arith.addf %add3A_588, %gather3A_592 : vector<16xf32>
      %add3A_594 = arith.constant 13 : i32
      %add3A_595 = vector.broadcast %add3A_594 : i32 to vector<16xi32>
      %add3A_596 = arith.addi %add3A_529, %add3A_595 : vector<16xi32>
      %gather3A_597 = tpu.vector_load_idx %arg15[%add3A_596] : memref<8192xf32, #tpu.memory_space<vmem>>[vector<16xi32>], vector<16xf32>,
      %add3A_598 = arith.addf %add3A_593, %gather3A_597 : vector<16xf32>
      %add3A_599 = arith.constant 14 : i32
      %add3A_600 = vector.broadcast %add3A_599 : i32 to vector<16xi32>
      %add3A_601 = arith.addi %add3A_529, %add3A_600 : vector<16xi32>
      %gather3A_602 = tpu.vector_load_idx %arg15[%add3A_601] : memref<8192xf32, #tpu.memory_space<vmem>>[vector<16xi32>], vector<16xf32>,
      %add3A_603 = arith.addf %add3A_598, %gather3A_602 : vector<16xf32>
      %add3A_604 = arith.constant 15 : i32
      %add3A_605 = vector.broadcast %add3A_604 : i32 to vector<16xi32>
      %add3A_606 = arith.addi %add3A_529, %add3A_605 : vector<16xi32>
      %gather3A_607 = tpu.vector_load_idx %arg15[%add3A_606] : memref<8192xf32, #tpu.memory_space<vmem>>[vector<16xi32>], vector<16xf32>,
      %add3A_608 = arith.addf %add3A_603, %gather3A_607 : vector<16xf32>
      %multiple_of3A_609 = tpu.assume_multiple %mul3A_173, 16 : i32
      %neg3A = arith.constant 0.000000e+00 : f32
      %neg3A_610 = vector.broadcast %neg3A : f32 to vector<16xf32>
      %neg3A_611 = arith.subf %neg3A_610, %add3A_608 : vector<16xf32>
      %exp3A = math.exp %neg3A_611 : vector<16xf32>
      %add3A_612 = arith.constant 1.000000e+00 : f32
      %add3A_613 = vector.broadcast %add3A_612 : f32 to vector<16xf32>
      %add3A_614 = arith.addf %add3A_613, %exp3A : vector<16xf32>
      %div3A = arith.constant 1.000000e+00 : f32
      %div3A_615 = vector.broadcast %div3A : f32 to vector<16xf32>
      %div3A_616 = arith.divf %div3A_615, %add3A_614 : vector<16xf32>
      %swap3A_617 = arith.index_cast %multiple_of3A_609 : i32 to index
      %swap3A_618 = tpu.vector_load %arg16[%swap3A_617] {strides = array<i32>} : memref<512xf32, #tpu.memory_space<vmem>>, vector<16xf32>,
      tpu.vector_store %arg16[%swap3A_617], %div3A_616 {strides = array<i32>} : memref<512xf32, #tpu.memory_space<vmem>>, vector<16xf32>,
    }
    %scan3A_170 = arith.constant 32 : i32
    "tpu.region"() ({
      %run_scoped3A = tpu.sem_alloc : memref<!tpu.dma_semaphore, #tpu.memory_space<semaphore_mem>>
      %dma_start3A_171 = tpu.memref_slice %arg8[%mul3A_2] : memref<16384xf32, #tpu.memory_space<hbm>> -> memref<512xf32, #tpu.memory_space<hbm>>
      %dma_start3A_172 = tpu.memref_slice %arg8[%mul3A_2] : memref<16384xf32, #tpu.memory_space<hbm>> -> memref<512xf32, #tpu.memory_space<hbm>>
      tpu.enqueue_dma source(%arg16 : memref<512xf32, #tpu.memory_space<vmem>>) target(%dma_start3A_172 : memref<512xf32, #tpu.memory_space<hbm>>) target_semaphore(%run_scoped3A : memref<!tpu.dma_semaphore, #tpu.memory_space<semaphore_mem>>)
      %dma_wait3A_173 = tpu.memref_slice %arg8[%mul3A_2] : memref<16384xf32, #tpu.memory_space<hbm>> -> memref<512xf32, #tpu.memory_space<hbm>>
      %dma_wait3A_174 = tpu.memref_slice %arg8[%mul3A_2] : memref<16384xf32, #tpu.memory_space<hbm>> -> memref<512xf32, #tpu.memory_space<hbm>>
      tpu.wait_dma2 semaphore(%run_scoped3A : memref<!tpu.dma_semaphore, #tpu.memory_space<semaphore_mem>>) src(%arg16 : memref<512xf32, #tpu.memory_space<vmem>>) dst(%dma_wait3A_174 : memref<512xf32, #tpu.memory_space<hbm>>)
      tpu.yield
    }) : () -> ()
    return
  }
}

</mosaic_0001>

<sc_bundles>
// kernel: kernel.3.cloned.1.call-start
scs
__scs_entry_jumppad:
0x0: {  	(pc) =	sbr.rel $0x88, $3  }
0x1: {  	(tag) =	ssettag $0x0;
	lr =	simm.s32 $0x1  }
0x2: {  	[smem:$0x3F9B] =	sst lr;
	_ =	strace $0xD0000000  }
0x3: {  	_ = 	snop  }
0x4: {  	_ = 	snop  }
0x5: {  	_ = 	snop  }
0x6: {  	_ = 	snop  }
0x7: {  	_ = 	snop  }
__scs_overlays_trampoline_lowered:
0x8: {  	[smem:$0x3FAA] =	sst s0  }
0x9: {  	[smem:$0x3FAB] =	sst s1  }
0xa: {  	[smem:$0x3FAC] =	sst s2  }
0xb: {  	[smem:$0x3FAD] =	sst s3  }
0xc: {  	[smem:$0x3FAE] =	sst s4  }
0xd: {  	[smem:$0x3FAF] =	sst s5  }
0xe: {  	[smem:$0x3FB0] =	sst s6  }
0xf: {  	[smem:$0x3FB1] =	sst s7  }
0x10: {  	[smem:$0x3FB2] =	sst s8  }
0x11: {  	[smem:$0x3FB3] =	sst s9;
	s0 =	simm.s32 @!p0 $0x0  }
0x12: {  	s1 =	sld [smem:$0x3F99];
	s0 =	simm.s32 @p0 $0x1  }
0x13: {  	[smem:$0x3FB4] =	sst s0;
	s0 =	simm.s32 @!p1 $0x0  }
0x14: {  	s2 =	sld [smem:$0x3F98];
	s0 =	simm.s32 @p1 $0x1  }
0x15: {  	[smem:$0x3FB5] =	sst s0;
	s0 =	simm.s32 @!p2 $0x0  }
0x16: {  	s3 =	sld [smem:$0x3FDB];
	s0 =	simm.s32 @p2 $0x1  }
0x17: {  	s4 =	simm.s32 $0x1BF5;
	[smem:$0x3FB7] =	sst s0  }
0x18: {  	s0 =	sld [smem:$0x3F9A];
	_ =	swait.ge [sflag:s4], $0x0  }
0x19: {  	s7 =	sld [smem:$0x3F9B]  }
0x1a: {  	s8 =	sadd.s32 $0xFFFFE003, lr  }
0x1b: {  	s9 =	sadd.s32 $0xFFFFFEF7, lr;
	s5 =	simm.s32 $0xFFFFFFFF;
	p2 =	slt.u32 s8, $0xFFFFF086  }
0x1c: {  	p1 =	slt.u32 s9, $0xF7A;
	s5 =	simm.s32 @!p2 $0x0  }
0x1d: {  	s5 =	simm.s32 @p1 $0x1;
	p0 =	seq.s32 s7, s2  }
0x1e: {  	s7 =	smul.u32 @!p0 $0xF7A, s2;
	p2 =	seq.s32 @!p0 s5, $0x0  }
0x1f: {  	s9 =	smul.u32 $0xF7A, s1;
	s8 =	simm.s32 @!p0 $0x1BF5;
	p2 =	por !p2, p0  }
0x20: {  	[sflag:s8] =	ssyncset.s32 @!p0 $0xFFFFF086;
	s6 =	sadd.s32 @!p0 s3, s7;
	s7 =	simm.s32 @!p0 $0x108  }
0x21: {  	s3 =	sadd.s32 s3, s9;
	s6 =	sadd.s32 @!p0 $0x88, s6;
	s7 =	simm.s32 @p2 $0x1082  }
0x22: {  	[simem:s7], [sflag:s8] =	dma.local @!p0 [hbm:s6], $0xF7A  }
0x23: {  	s9 =	sor.u32 $0xD0000000, s2;
	s6 =	simm.s32 $0x108;
	_ =	swait.ge @!p0 [sflag:s8], $0x0  }
0x24: {  	s3 =	sadd.s32 $0x88, s3;
	s6 =	simm.s32 @!p1 $0x1082;
	[sflag:s4] =	ssyncset.s32 $0xFFFFF086  }
0x25: {  	[simem:s6], [sflag:s4] =	dma.local [hbm:s3], $0xF7A  }
0x26: {  	[smem:$0x3F9B] =	sst s1;
	(tag) =	ssettag s2;
	_ =	strace s9  }
0x27: {  	s1 =	sld [smem:$0x3FAB]  }
0x28: {  	s2 =	sld [smem:$0x3FAC]  }
0x29: {  	s4 =	sld [smem:$0x3FAE]  }
0x2a: {  	p0 =	seq.s32 s5, $0x0;
	s5 =	sld [smem:$0x3FAF]  }
0x2b: {  	s6 =	sld [smem:$0x3FB0]  }
0x2c: {  	s7 =	sld [smem:$0x3FB1]  }
0x2d: {  	s3 =	simm.s32 $0x108;
	s8 =	sld [smem:$0x3FB2]  }
0x2e: {  	s3 =	simm.s32 @!p0 $0x1082;
	s9 =	sld [smem:$0x3FB3]  }
0x2f: {  	lr =	sadd.s32 s0, s3;
	s0 =	sld [smem:$0x3FAA]  }
0x30: {  	s3 =	sld [smem:$0x3FAD]  }
0x31: {  	[smem:$0x3FB6] =	sst s10  }
0x32: {  	s10 =	sld [smem:$0x3FB4];
	_ =	sdelay $0x3  }
0x33: {  	p0 =	seq.s32 s10, $0x1;
	s10 =	sld [smem:$0x3FB6];
	_ =	sdelay $0x3  }
0x34: {  	[smem:$0x3FB6] =	sst s10  }
0x35: {  	s10 =	sld [smem:$0x3FB5];
	_ =	sdelay $0x3  }
0x36: {  	p1 =	seq.s32 s10, $0x1;
	s10 =	sld [smem:$0x3FB6];
	_ =	sdelay $0x3  }
0x37: {  	[smem:$0x3FB6] =	sst s10  }
0x38: {  	s10 =	sld [smem:$0x3FB7]  }
0x39: {  	_ = 	snop;
	(pc) =	sbr.ind lr, $3  }
0x3a: {  	_ = 	snop  }
0x3b: {  	_ = 	snop  }
0x3c: {  	p2 =	seq.s32 s10, $0x1;
	s10 =	sld [smem:$0x3FB6]  }
0x3d: {  	_ =	shalt  }
0x3e: {  	_ =	shalt  }
0x3f: {  	_ =	shalt  }
0x40: {  	_ =	shalt  }
0x41: {  	_ =	shalt  }
0x42: {  	_ =	shalt  }
0x43: {  	_ =	shalt  }
0x44: {  	_ =	shalt  }
0x45: {  	_ =	shalt  }
0x46: {  	_ =	shalt  }
0x47: {  	_ =	shalt  }
0x48: {  	_ =	shalt  }
0x49: {  	_ =	shalt  }
0x4a: {  	_ =	shalt  }
0x4b: {  	_ =	shalt  }
0x4c: {  	_ =	shalt  }
0x4d: {  	_ =	shalt  }
0x4e: {  	_ =	shalt  }
0x4f: {  	_ =	shalt  }
0x50: {  	_ =	shalt  }
0x51: {  	_ =	shalt  }
0x52: {  	_ =	shalt  }
0x53: {  	_ =	shalt  }
0x54: {  	_ =	shalt  }
0x55: {  	_ =	shalt  }
0x56: {  	_ =	shalt  }
0x57: {  	_ =	shalt  }
0x58: {  	_ =	shalt  }
0x59: {  	_ =	shalt  }
0x5a: {  	_ =	shalt  }
0x5b: {  	_ =	shalt  }
0x5c: {  	_ =	shalt  }
0x5d: {  	_ =	shalt  }
0x5e: {  	_ =	shalt  }
0x5f: {  	_ =	shalt  }
0x60: {  	_ =	shalt  }
0x61: {  	_ =	shalt  }
0x62: {  	_ =	shalt  }
0x63: {  	_ =	shalt  }
0x64: {  	_ =	shalt  }
0x65: {  	_ =	shalt  }
0x66: {  	_ =	shalt  }
0x67: {  	_ =	shalt  }
0x68: {  	_ =	shalt  }
0x69: {  	_ =	shalt  }
0x6a: {  	_ =	shalt  }
0x6b: {  	_ =	shalt  }
0x6c: {  	_ =	shalt  }
0x6d: {  	_ =	shalt  }
0x6e: {  	_ =	shalt  }
0x6f: {  	_ =	shalt  }
0x70: {  	_ =	shalt  }
0x71: {  	_ =	shalt  }
0x72: {  	_ =	shalt  }
0x73: {  	_ =	shalt  }
0x74: {  	_ =	shalt  }
0x75: {  	_ =	shalt  }
0x76: {  	_ =	shalt  }
0x77: {  	_ =	shalt  }
0x78: {  	_ =	shalt  }
0x79: {  	_ =	shalt  }
0x7a: {  	_ =	shalt  }
0x7b: {  	_ =	shalt  }
0x7c: {  	_ =	shalt  }
0x7d: {  	_ =	shalt  }
0x7e: {  	_ =	shalt  }
0x7f: {  	_ =	shalt  }
0x80: {  	_ =	shalt  }
0x81: {  	_ =	shalt  }
0x82: {  	_ =	shalt  }
0x83: {  	_ =	shalt  }
0x84: {  	_ =	shalt  }
0x85: {  	_ =	shalt  }
0x86: {  	_ =	shalt  }
0x87: {  	_ =	shalt  }
.Lfunc_end0:
.L_simem_size_0:
called_computation.4_lowered:
.L_overlay_start_0:
0x88: {  	s2 =	sld [smem:$0x3FD9]  }
0x89: {  	s3 =	sld [smem:$0x3FFE];
	_ =	sdelay $0x1  }
0x8a: {  	s1 =	srdreg.scid  }
0x8b: {  	s0 =	sand.u32 $0x1, s1  }
0x8c: {  	s17 =	sshll.u32 s0, $0xA;
	s2 =	sadd.s32 s3, s2  }
0x8d: {  	s2 =	sadd.s32 s2, s17  }
0x8e: {  	[smem:$0x3FC2] =	sst s2  }
0x8f: {  	_ = 	snop  }
0x90: {  	s2 =	sld [smem:$0x3FC9]  }
0x91: {  	s18 =	sld [smem:$0x3FC8]  }
0x92: {  	s4 =	sld [smem:$0x3FD0];
	(tm) =	ssettm $0x1  }
0x93: {  	s5 =	sld [smem:$0x3FFB];
	_ =	sdelay $0x3  }
0x94: {  	_ =	strace s5  }
0x95: {  	s5 =	sld [smem:$0x3FFC];
	_ =	sdelay $0x3  }
0x96: {  	_ =	strace s5  }
0x97: {  	s5 =	sld [smem:$0x3FFD];
	_ =	sdelay $0x3  }
0x98: {  	_ =	strace s5  }
0x99: {  	_ =	strace $0x8FFFFFFF  }
0x9a: {  	s19 =	sld [smem:$0x3FDB];
	_ =	sdelay $0x1  }
0x9b: {  	s6 =	simm.s32 $_scs_section_size  }
0x9c: {  	s7 =	simm.s32 $_size__tile_overlayer_lowered;
	s8 =	simm.s32 $_tile_overlayer_lowered  }
0x9d: {  	s22 =	simm.s32 $0x1BFF;
	s21 =	sshll.u32 s8, $0x1;
	s5 =	sadd.s32 s6, s19  }
0x9e: {  	s9 =	simm.s32 $0x0;
	s20 =	sshll.u32 s7, $0x1;
	s7 =	sadd.s32 s21, s5  }
0x9f: {  	[timem:s9], [sflag:s22] =	dma.local [hbm:s7], s20  }
0xa0: {  	_ =	swait.ge [sflag:s22], s20  }
0xa1: {  	s6 =	ssub.s32 $0x0, s20;
	[sflag:s22] =	ssyncset.done $0x0  }
0xa2: {  	[sflag:s22] =	ssyncadd.s32 s6;
	_ =	sdelay $0x1  }
0xa3: {  	s23 =	simm.s32 $0x1B8B  }
0xa4: {  	_ =	swait.ge [sflag:s23], $0x1  }
0xa5: {  	[sflag:s23] =	ssyncset.done $0x0  }
0xa6: {  	s25 =	simm.s32 $0x1B8E;
	s24 =	sld [smem:$0x3FFE];
	[sflag:s23] =	ssyncadd.s32 $0xFFFFFFFF  }
0xa7: {  	s26 =	simm.s32 $execute0_lowered;
	[smem:$0x3FD2] =	sst s25  }
0xa8: {  	s7 =	sshll.u32 s26, $0x1;
	_ =	strace $0x80000052;
	[dreg:$0x1] =	wrdreg $0xFFFFFFFF  }
0xa9: {  	s28 =	simm.s32 $_size_execute0_lowered;
	s5 =	sadd.s32 s5, s7;
	[dreg:$0x0] =	wrdreg $0x0  }
0xaa: {  	s7 =	sshll.u32 s28, $0x1;
	[dreg:$0x2] =	wrdreg s5  }
0xab: {  	[dreg:$0x3] =	wrdreg s7  }
0xac: {  	[dreg:$0x4] =	wrdreg $0xC0  }
0xad: {  	_ =	task [dreg:s9], $0x5FFFF  }
0xae: {  	[dreg:$0x1] =	wrdreg $0xFFFFFFFF  }
0xaf: {  	[dreg:$0x0] =	wrdreg $0x60  }
0xb0: {  	[dreg:$0x2] =	wrdreg s2  }
0xb1: {  	[dreg:$0x3] =	wrdreg s18  }
0xb2: {  	[dreg:$0x4] =	wrdreg s24  }
0xb3: {  	[dreg:$0x5] =	wrdreg s4  }
0xb4: {  	[dreg:$0x6] =	wrdreg $0x9  }
0xb5: {  	_ =	task.clear_ibuf [dreg:s9], $0x7FFFF;
	_ =	strace $0x90000052  }
0xb6: {  	s29 =	simm.s32 $0x9;
	_ =	strace $0x80000054  }
0xb7: {  	_ =	swait.ge [sflag:s29], $0x1  }
0xb8: {  	[sflag:s29] =	ssyncadd.s32 $0xFFFFFFFF  }
0xb9: {  	_ =	strace $0x90000054  }
0xba: {  	_ =	sfence  }
0xbb: {  	s30 =	sld [smem:$0x0];
	_ =	sdelay $0x2  }
0xbc: {  	s31 =	sshll.u32 s1, $0xD;
	s1 =	sshrl.u32 s1, $0x2  }
0xbd: {  	s3 =	sand.u32 $0x4000, s31;
	s1 =	sadd.s32 s1, s30  }
0xbe: {  	s0 =	sor.u32 s3, s0;
	s1 =	sshll.u32 s1, $0x11  }
0xbf: {  	s0 =	sor.u32 s1, s0  }
0xc0: {  	s0 =	sadd.s32 $0x8F2B, s0  }
0xc1: {  	[sflag:s0] =	ssyncadd.remote.s32 $0x1  }
0xc2: {  	_ =	sfence.sel $0xFFFF  }
0xc3: {  	[dreg:$0x0] =	wrdreg $0xFFFFFFFF;
	(pc) =	sbr.abs _section_cstart, $3  }
0xc4: {  	[dreg:$0x1] =	wrdreg $0xFFFFFFFF  }
0xc5: {  	_ =	task.clear_ibuf [dreg:s9], $0x2FFFF;
	_ =	strace $0x9FFFFFFF  }
0xc6: {  	(tm) =	ssettm $0x7FFFFFFF  }
0xc7: {  	_ =	shalt  }
tec
execute0_lowered:
.L_overlay_start_1:
0x0: {  	(tag) =	ssettag $0x1  }
0x1: {  	s0 =	rddreg [dreg:$0x0]  }
0x2: {  	s2 =	rddreg [dreg:$0x1]  }
0x3: {  	s6 =	rddreg [dreg:$0x2]  }
0x4: {  	s9 =	rddreg [dreg:$0x3];
	s1 =	simm.s32 $0x0;
	s7 =	srdreg.scid  }
0x5: {  	s10 =	stileid.u32;
	s12 =	simm.s32 $0x200;
	s15 =	simm.s32 $0x80  }
0x6: {  	s21 =	simm.s32 $0x100;
	s22 =	simm.s32 $0x1400;
	s23 =	simm.s32 $0x300  }
0x7: {  	s24 =	simm.s32 $0x3400;
	s25 =	simm.s32 $0x180;
	s26 =	simm.s32 $0x1C00  }
0x8: {  	v0 =	vlaneseq.u32;
	s28 =	simm.s32 $0x380;
	s29 =	simm.s32 $0x3C00;
	s30 =	simm.s32 $0x1  }
0x9: {  	s31 =	simm.s32 $0x4430;
	[smem:$0x7FF] =	sst s1;
	s3 =	sadd.s32 $0x1600, s6;
	v0 =	vmul.u32 $0x10, v0  }
0xa: {  	s4 =	sadd.s32 $0x3D2200, s6;
	s5 =	sadd.s32 $0x7A2E00, s6;
	s7 =	sand.u32 $0x1, s7  }
0xb: {  	s10 =	sshll.u32 s10, $0x7;
	s8 =	ssub.s32 $0x2, s7;
	s7 =	sshll.u32 s7, $0x6;
	v1 =	vor.u32 $0x1, v0;
	v2 =	vor.u32 $0x2, v0;
	v3 =	vor.u32 $0x3, v0  }
0xc: {  	s6 =	sadd.s32 $0x1E9C00, s6;
	s11 =	sshrl.u32 s8, $0x1;
	s10 =	sor.u32 s7, s10;
	v4 =	vor.u32 $0x4, v0;
	v5 =	vor.u32 $0x5, v0;
	v6 =	vor.u32 $0x6, v0  }
0xd: {  	_ =	strace $0x80000053;
	v7 =	vor.u32 $0x7, v0;
	v8 =	vor.u32 $0x8, v0;
	v9 =	vor.u32 $0x9, v0;
	s11 =	ssub.s32 s8, s11;
	s7 =	sadd.s32 s0, s10  }
0xe: {  	v10 =	vor.u32 $0xA, v0;
	v11 =	vor.u32 $0xB, v0;
	v12 =	vor.u32 $0xC, v0;
	s8 =	sadd.s32 s2, s10;
	s9 =	sadd.s32 s9, s10;
	s0 =	simm.s32 $0x6430  }
0xf: {  	v13 =	vor.u32 $0xD, v0;
	v14 =	vor.u32 $0xE, v0;
	v15 =	vor.u32 $0xF, v0;
	s2 =	simm.s32 $0x0;
	s10 =	smax.u32 s11, $0x1;
	s11 =	simm.s32 $0x2  }
.LBB2_1:
0x10: {  	[tilespmem:s1], [sflag:$0x2] =	stream.linear.gather [hbm4b:s7+s1], $0x200, $0x38;
	[tilespmem:$0x6630] =	vst v63  }
0x11: {  	_ =	swait.ge [sflag:s11], $0x200  }
0x12: {  	[sflag:s11] =	ssyncset.done $0x0  }
0x13: {  	[sflag:s11] =	ssyncadd.s32 $0xFFFFFE00  }
0x14: {  	[tilespmem:s12], [sflag:$0x2] =	stream.linear.gather [hbm4b:s8+s1], $0x200, $0x38;
	[tilespmem:$0x6630] =	vst v63  }
0x15: {  	_ =	swait.ge [sflag:s11], $0x200  }
0x16: {  	[sflag:s11] =	ssyncset.done $0x0  }
0x17: {  	s13 =	simm.s32 $0x4400;
	[sflag:s11] =	ssyncadd.s32 $0xFFFFFE00  }
0x18: {  	[tilespmem:s13], [sflag:$0x2] =	stream.linear.gather [hbm4b:s5+s1], $0x20, $0x38;
	[tilespmem:$0x6630] =	vst v63  }
0x19: {  	_ =	swait.ge [sflag:s11], $0x20  }
0x1a: {  	[sflag:s11] =	ssyncset.done $0x0  }
0x1b: {  	s16 =	simm.s32 $0x4420;
	[sflag:s11] =	ssyncadd.s32 $0xFFFFFFE0  }
0x1c: {  	[tilespmem:s16], [sflag:$0x2] =	stream.linear.gather [hbm4b:s6+s1], $0x10, $0x38;
	[tilespmem:$0x6630] =	vst v63  }
0x1d: {  	_ =	swait.ge [sflag:s11], $0x10  }
0x1e: {  	[sflag:s11] =	ssyncset.done $0x0  }
0x1f: {  	s17 =	simm.s32 $0x400;
	[sflag:s11] =	ssyncadd.s32 $0xFFFFFFF0  }
0x20: {  	[tilespmem:s17], [sflag:$0x1] =	stream.indirect.gather [hbm4b:s3+s15], $0x10, s1, s15, $0xb8;
	[tilespmem:$0x6630] =	vst v63  }
0x21: {  	s18 =	simm.s32 $0x2400  }
0x22: {  	[tilespmem:s18], [sflag:$0x1] =	stream.indirect.gather [hbm4b:s4+s15], $0x10, s12, s15, $0xb8;
	[tilespmem:$0x6630] =	vst v63  }
0x23: {  	s19 =	simm.s32 $0xC00  }
0x24: {  	[tilespmem:s19], [sflag:$0x1] =	stream.indirect.gather [hbm4b:s3+s15], $0x10, s15, s15, $0xb8;
	[tilespmem:$0x6630] =	vst v63  }
0x25: {  	s20 =	simm.s32 $0x280;
	s14 =	simm.s32 $0x2C00  }
0x26: {  	[tilespmem:s14], [sflag:$0x1] =	stream.indirect.gather [hbm4b:s4+s15], $0x10, s20, s15, $0xb8;
	[tilespmem:$0x6630] =	vst v63  }
0x27: {  	_ = 	snop  }
0x28: {  	[tilespmem:s22], [sflag:$0x1] =	stream.indirect.gather [hbm4b:s3+s15], $0x10, s21, s15, $0xb8;
	[tilespmem:$0x6630] =	vst v63  }
0x29: {  	_ = 	snop  }
0x2a: {  	[tilespmem:s24], [sflag:$0x1] =	stream.indirect.gather [hbm4b:s4+s15], $0x10, s23, s15, $0xb8;
	[tilespmem:$0x6630] =	vst v63  }
0x2b: {  	_ = 	snop  }
0x2c: {  	[tilespmem:s26], [sflag:$0x1] =	stream.indirect.gather [hbm4b:s3+s15], $0x10, s25, s15, $0xb8;
	[tilespmem:$0x6630] =	vst v63  }
0x2d: {  	_ = 	snop  }
0x2e: {  	[tilespmem:s29], [sflag:$0x1] =	stream.indirect.gather [hbm4b:s4+s15], $0x10, s28, s15, $0xb8;
	[tilespmem:$0x6630] =	vst v63  }
0x2f: {  	_ =	swait.ge [sflag:s30], $0x800  }
0x30: {  	[sflag:s30] =	ssyncset.done $0x0  }
0x31: {  	[sflag:s30] =	ssyncadd.s32 $0xFFFFF800  }
0x32: {  	_ =	swait.ge [sflag:s30], $0x800  }
0x33: {  	[sflag:s30] =	ssyncset.done $0x0  }
0x34: {  	[sflag:s30] =	ssyncadd.s32 $0xFFFFF800  }
0x35: {  	_ =	swait.ge [sflag:s30], $0x800  }
0x36: {  	[sflag:s30] =	ssyncset.done $0x0  }
0x37: {  	[sflag:s30] =	ssyncadd.s32 $0xFFFFF800  }
0x38: {  	_ =	swait.ge [sflag:s30], $0x800  }
0x39: {  	[sflag:s30] =	ssyncset.done $0x0  }
0x3a: {  	[sflag:s30] =	ssyncadd.s32 $0xFFFFF800  }
0x3b: {  	_ =	swait.ge [sflag:s30], $0x800  }
0x3c: {  	[sflag:s30] =	ssyncset.done $0x0  }
0x3d: {  	[sflag:s30] =	ssyncadd.s32 $0xFFFFF800  }
0x3e: {  	_ =	swait.ge [sflag:s30], $0x800  }
0x3f: {  	[sflag:s30] =	ssyncset.done $0x0  }
0x40: {  	[sflag:s30] =	ssyncadd.s32 $0xFFFFF800  }
0x41: {  	_ =	swait.ge [sflag:s30], $0x800  }
0x42: {  	[sflag:s30] =	ssyncset.done $0x0  }
0x43: {  	[sflag:s30] =	ssyncadd.s32 $0xFFFFF800  }
0x44: {  	_ =	swait.ge [sflag:s30], $0x800  }
0x45: {  	[sflag:s30] =	ssyncset.done $0x0  }
0x46: {  	s13 =	simm.s32 $0x2480;
	[sflag:s30] =	ssyncadd.s32 $0xFFFFF800  }
0x47: {  	s14 =	simm.s32 $0x480;
	v18 =	vld [tilespmem:s13+$0xFFFFFF80]  }
0x48: {  	v19 =	vld [tilespmem:s14+$0xFFFFFF80];
	_ =	sdelay $0x1  }
0x49: {  	v16 =	vld [tilespmem:$0x4400]  }
0x4a: {  	v17 =	vld [tilespmem:$0x4410]  }
0x4b: {  	v20 =	vunpack.i.l.bf16.f32 v18  }
0x4c: {  	v21 =	vunpack.i.u.bf16.f32 v19;
	v19 =	vunpack.i.l.bf16.f32 v19;
	v18 =	vunpack.i.u.bf16.f32 v18  }
0x4d: {  	v19 =	vmul.f32 v20, v19;
	v18 =	vmul.f32 v18, v21;
	_ =	sdelay $0x1  }
0x4e: {  	v19 =	vmul.f32 v19, v16;
	v18 =	vmul.f32 v18, v17;
	_ =	sdelay $0x1  }
0x4f: {  	v19 =	vadd.f32 v19, v18  }
0x50: {  	s16 =	simm.s32 $0x44B0  }
0x51: {  	v18 =	vld [tilespmem:$0x4420];
	[tilespmem:s16+$0xFFFFFF80] =	vst v19  }
0x52: {  	v19 =	vld [tilespmem:s14+$0xFFFFFF90]  }
0x53: {  	v20 =	vld [tilespmem:s13+$0xFFFFFF90];
	_ =	sdelay $0x3  }
0x54: {  	v55 =	vunpack.i.l.bf16.f32 v19  }
0x55: {  	v19 =	vunpack.i.u.bf16.f32 v19;
	v22 =	vunpack.i.u.bf16.f32 v20;
	v20 =	vunpack.i.l.bf16.f32 v20  }
0x56: {  	v20 =	vmul.f32 v20, v55;
	v19 =	vmul.f32 v22, v19;
	_ =	sdelay $0x1  }
0x57: {  	v20 =	vmul.f32 v20, v16;
	v19 =	vmul.f32 v19, v17;
	_ =	sdelay $0x1  }
0x58: {  	v19 =	vadd.f32 v20, v19;
	_ =	sdelay $0x1  }
0x59: {  	[tilespmem:s16+$0xFFFFFF90] =	vst v19  }
0x5a: {  	v19 =	vld [tilespmem:s14+$0xFFFFFFA0]  }
0x5b: {  	v20 =	vld [tilespmem:s13+$0xFFFFFFA0];
	_ =	sdelay $0x3  }
0x5c: {  	v56 =	vunpack.i.l.bf16.f32 v19  }
0x5d: {  	v19 =	vunpack.i.u.bf16.f32 v19;
	v57 =	vunpack.i.u.bf16.f32 v20;
	v20 =	vunpack.i.l.bf16.f32 v20  }
0x5e: {  	v20 =	vmul.f32 v20, v56;
	v19 =	vmul.f32 v57, v19;
	_ =	sdelay $0x1  }
0x5f: {  	v20 =	vmul.f32 v20, v16;
	v19 =	vmul.f32 v19, v17;
	_ =	sdelay $0x1  }
0x60: {  	v19 =	vadd.f32 v20, v19;
	_ =	sdelay $0x1  }
0x61: {  	[tilespmem:s16+$0xFFFFFFA0] =	vst v19  }
0x62: {  	v19 =	vld [tilespmem:s14+$0xFFFFFFB0]  }
0x63: {  	v20 =	vld [tilespmem:s13+$0xFFFFFFB0];
	_ =	sdelay $0x3  }
0x64: {  	v58 =	vunpack.i.l.bf16.f32 v19  }
0x65: {  	v19 =	vunpack.i.u.bf16.f32 v19;
	v59 =	vunpack.i.u.bf16.f32 v20;
	v20 =	vunpack.i.l.bf16.f32 v20  }
0x66: {  	v20 =	vmul.f32 v20, v58;
	v19 =	vmul.f32 v59, v19;
	_ =	sdelay $0x1  }
0x67: {  	v20 =	vmul.f32 v20, v16;
	v19 =	vmul.f32 v19, v17;
	_ =	sdelay $0x1  }
0x68: {  	v19 =	vadd.f32 v20, v19;
	_ =	sdelay $0x1  }
0x69: {  	[tilespmem:s16+$0xFFFFFFB0] =	vst v19  }
0x6a: {  	v19 =	vld [tilespmem:s14+$0xFFFFFFC0]  }
0x6b: {  	v20 =	vld [tilespmem:s13+$0xFFFFFFC0];
	_ =	sdelay $0x3  }
0x6c: {  	v60 =	vunpack.i.l.bf16.f32 v19  }
0x6d: {  	v19 =	vunpack.i.u.bf16.f32 v19;
	v61 =	vunpack.i.u.bf16.f32 v20;
	v20 =	vunpack.i.l.bf16.f32 v20  }
0x6e: {  	v20 =	vmul.f32 v20, v60;
	v19 =	vmul.f32 v61, v19;
	_ =	sdelay $0x1  }
0x6f: {  	v20 =	vmul.f32 v20, v16;
	v19 =	vmul.f32 v19, v17;
	_ =	sdelay $0x1  }
0x70: {  	v19 =	vadd.f32 v20, v19;
	_ =	sdelay $0x1  }
0x71: {  	[tilespmem:s16+$0xFFFFFFC0] =	vst v19  }
0x72: {  	v19 =	vld [tilespmem:s14+$0xFFFFFFD0]  }
0x73: {  	v20 =	vld [tilespmem:s13+$0xFFFFFFD0];
	_ =	sdelay $0x3  }
0x74: {  	v62 =	vunpack.i.u.bf16.f32 v19  }
0x75: {  	v19 =	vunpack.i.l.bf16.f32 v19;
	v63 =	vunpack.i.u.bf16.f32 v20;
	v20 =	vunpack.i.l.bf16.f32 v20  }
0x76: {  	v19 =	vmul.f32 v20, v19;
	v20 =	vmul.f32 v63, v62;
	_ =	sdelay $0x1  }
0x77: {  	v19 =	vmul.f32 v19, v16;
	v20 =	vmul.f32 v20, v17;
	_ =	sdelay $0x1  }
0x78: {  	v19 =	vadd.f32 v19, v20;
	_ =	sdelay $0x1  }
0x79: {  	[tilespmem:s16+$0xFFFFFFD0] =	vst v19  }
0x7a: {  	v19 =	vld [tilespmem:s14+$0xFFFFFFE0]  }
0x7b: {  	v20 =	vld [tilespmem:s13+$0xFFFFFFE0];
	_ =	sdelay $0x3  }
0x7c: {  	v24 =	vunpack.i.u.bf16.f32 v19  }
0x7d: {  	v19 =	vunpack.i.l.bf16.f32 v19;
	v25 =	vunpack.i.u.bf16.f32 v20;
	v20 =	vunpack.i.l.bf16.f32 v20  }
0x7e: {  	v19 =	vmul.f32 v20, v19;
	v20 =	vmul.f32 v25, v24;
	_ =	sdelay $0x1  }
0x7f: {  	v19 =	vmul.f32 v19, v16;
	v20 =	vmul.f32 v20, v17;
	_ =	sdelay $0x1  }
0x80: {  	v19 =	vadd.f32 v19, v20;
	_ =	sdelay $0x1  }
0x81: {  	[tilespmem:s16+$0xFFFFFFE0] =	vst v19  }
0x82: {  	v19 =	vld [tilespmem:s13+$0xFFFFFFF0]  }
0x83: {  	v20 =	vld [tilespmem:s14+$0xFFFFFFF0];
	_ =	sdelay $0x3  }
0x84: {  	v26 =	vunpack.i.u.bf16.f32 v19  }
0x85: {  	v19 =	vunpack.i.l.bf16.f32 v19;
	v27 =	vunpack.i.u.bf16.f32 v20;
	v20 =	vunpack.i.l.bf16.f32 v20  }
0x86: {  	v19 =	vmul.f32 v19, v20;
	v20 =	vmul.f32 v26, v27;
	_ =	sdelay $0x1  }
0x87: {  	v19 =	vmul.f32 v19, v16;
	v20 =	vmul.f32 v20, v17;
	_ =	sdelay $0x1  }
0x88: {  	v19 =	vadd.f32 v19, v20;
	_ =	sdelay $0x1  }
0x89: {  	[tilespmem:s16+$0xFFFFFFF0] =	vst v19  }
0x8a: {  	v19 =	vld [tilespmem:s14+$0x0]  }
0x8b: {  	v20 =	vld [tilespmem:s13+$0x0];
	_ =	sdelay $0x3  }
0x8c: {  	v28 =	vunpack.i.l.bf16.f32 v19  }
0x8d: {  	v19 =	vunpack.i.u.bf16.f32 v19;
	v29 =	vunpack.i.u.bf16.f32 v20;
	v20 =	vunpack.i.l.bf16.f32 v20  }
0x8e: {  	v20 =	vmul.f32 v20, v28;
	v19 =	vmul.f32 v29, v19;
	_ =	sdelay $0x1  }
0x8f: {  	v20 =	vmul.f32 v20, v16;
	v19 =	vmul.f32 v19, v17;
	_ =	sdelay $0x1  }
0x90: {  	v19 =	vadd.f32 v20, v19;
	_ =	sdelay $0x1  }
0x91: {  	[tilespmem:s16+$0x0] =	vst v19  }
0x92: {  	v19 =	vld [tilespmem:s14+$0x10]  }
0x93: {  	v20 =	vld [tilespmem:s13+$0x10];
	_ =	sdelay $0x3  }
0x94: {  	v30 =	vunpack.i.l.bf16.f32 v19  }
0x95: {  	v19 =	vunpack.i.u.bf16.f32 v19;
	v31 =	vunpack.i.u.bf16.f32 v20;
	v20 =	vunpack.i.l.bf16.f32 v20  }
0x96: {  	v20 =	vmul.f32 v20, v30;
	v19 =	vmul.f32 v31, v19;
	_ =	sdelay $0x1  }
0x97: {  	v20 =	vmul.f32 v20, v16;
	v19 =	vmul.f32 v19, v17;
	_ =	sdelay $0x1  }
0x98: {  	v19 =	vadd.f32 v20, v19;
	_ =	sdelay $0x1  }
0x99: {  	[tilespmem:s16+$0x10] =	vst v19  }
0x9a: {  	v19 =	vld [tilespmem:s14+$0x20]  }
0x9b: {  	v20 =	vld [tilespmem:s13+$0x20];
	_ =	sdelay $0x3  }
0x9c: {  	v32 =	vunpack.i.l.bf16.f32 v19  }
0x9d: {  	v19 =	vunpack.i.u.bf16.f32 v19;
	v33 =	vunpack.i.u.bf16.f32 v20;
	v20 =	vunpack.i.l.bf16.f32 v20  }
0x9e: {  	v20 =	vmul.f32 v20, v32;
	v19 =	vmul.f32 v33, v19;
	_ =	sdelay $0x1  }
0x9f: {  	v20 =	vmul.f32 v20, v16;
	v19 =	vmul.f32 v19, v17;
	_ =	sdelay $0x1  }
0xa0: {  	v19 =	vadd.f32 v20, v19;
	_ =	sdelay $0x1  }
0xa1: {  	[tilespmem:s16+$0x20] =	vst v19  }
0xa2: {  	v19 =	vld [tilespmem:s14+$0x30]  }
0xa3: {  	v20 =	vld [tilespmem:s13+$0x30];
	_ =	sdelay $0x3  }
0xa4: {  	v34 =	vunpack.i.l.bf16.f32 v19  }
0xa5: {  	v19 =	vunpack.i.u.bf16.f32 v19;
	v35 =	vunpack.i.u.bf16.f32 v20;
	v20 =	vunpack.i.l.bf16.f32 v20  }
0xa6: {  	v20 =	vmul.f32 v20, v34;
	v19 =	vmul.f32 v35, v19;
	_ =	sdelay $0x1  }
0xa7: {  	v20 =	vmul.f32 v20, v16;
	v19 =	vmul.f32 v19, v17;
	_ =	sdelay $0x1  }
0xa8: {  	v19 =	vadd.f32 v20, v19;
	_ =	sdelay $0x1  }
0xa9: {  	[tilespmem:s16+$0x30] =	vst v19  }
0xaa: {  	v19 =	vld [tilespmem:s14+$0x40]  }
0xab: {  	v20 =	vld [tilespmem:s13+$0x40];
	_ =	sdelay $0x3  }
0xac: {  	v36 =	vunpack.i.l.bf16.f32 v19  }
0xad: {  	v19 =	vunpack.i.u.bf16.f32 v19;
	v37 =	vunpack.i.u.bf16.f32 v20;
	v20 =	vunpack.i.l.bf16.f32 v20  }
0xae: {  	v20 =	vmul.f32 v20, v36;
	v19 =	vmul.f32 v37, v19;
	_ =	sdelay $0x1  }
0xaf: {  	v20 =	vmul.f32 v20, v16;
	v19 =	vmul.f32 v19, v17;
	_ =	sdelay $0x1  }
0xb0: {  	v19 =	vadd.f32 v20, v19;
	_ =	sdelay $0x1  }
0xb1: {  	[tilespmem:s16+$0x40] =	vst v19  }
0xb2: {  	v19 =	vld [tilespmem:s14+$0x50]  }
0xb3: {  	v20 =	vld [tilespmem:s13+$0x50];
	_ =	sdelay $0x3  }
0xb4: {  	v38 =	vunpack.i.l.bf16.f32 v19  }
0xb5: {  	v19 =	vunpack.i.u.bf16.f32 v19;
	v39 =	vunpack.i.u.bf16.f32 v20;
	v20 =	vunpack.i.l.bf16.f32 v20  }
0xb6: {  	v20 =	vmul.f32 v20, v38;
	v19 =	vmul.f32 v39, v19;
	_ =	sdelay $0x1  }
0xb7: {  	v20 =	vmul.f32 v20, v16;
	v19 =	vmul.f32 v19, v17;
	_ =	sdelay $0x1  }
0xb8: {  	v19 =	vadd.f32 v20, v19;
	_ =	sdelay $0x1  }
0xb9: {  	[tilespmem:s16+$0x50] =	vst v19  }
0xba: {  	v19 =	vld [tilespmem:s14+$0x60]  }
0xbb: {  	v20 =	vld [tilespmem:s13+$0x60];
	_ =	sdelay $0x3  }
0xbc: {  	v40 =	vunpack.i.l.bf16.f32 v19  }
0xbd: {  	v19 =	vunpack.i.u.bf16.f32 v19;
	v41 =	vunpack.i.u.bf16.f32 v20;
	v20 =	vunpack.i.l.bf16.f32 v20  }
0xbe: {  	v20 =	vmul.f32 v20, v40;
	v19 =	vmul.f32 v41, v19;
	_ =	sdelay $0x1  }
0xbf: {  	v20 =	vmul.f32 v20, v16;
	v19 =	vmul.f32 v19, v17;
	_ =	sdelay $0x1  }
0xc0: {  	v19 =	vadd.f32 v20, v19;
	_ =	sdelay $0x1  }
0xc1: {  	[tilespmem:s16+$0x60] =	vst v19  }
0xc2: {  	v19 =	vld [tilespmem:s14+$0x70]  }
0xc3: {  	v20 =	vld [tilespmem:s13+$0x70];
	_ =	sdelay $0x3  }
0xc4: {  	v42 =	vunpack.i.l.bf16.f32 v19  }
0xc5: {  	v19 =	vunpack.i.u.bf16.f32 v19;
	v43 =	vunpack.i.u.bf16.f32 v20;
	v20 =	vunpack.i.l.bf16.f32 v20  }
0xc6: {  	v20 =	vmul.f32 v20, v42;
	v19 =	vmul.f32 v43, v19;
	_ =	sdelay $0x1  }
0xc7: {  	v44 =	vor.u32 s1, v0;
	v20 =	vmul.f32 v20, v16;
	v19 =	vmul.f32 v19, v17;
	_ =	sdelay $0x1  }
0xc8: {  	v45 =	vor.u32 s1, v1;
	v19 =	vadd.f32 v20, v19;
	_ =	sdelay $0x1  }
0xc9: {  	v20 =	vor.u32 s1, v2;
	[tilespmem:s16+$0x70] =	vst v19  }
0xca: {  	v19 =	vld.idx.msk [tilespmem:v44+s31+$0x0], $0xffff  }
0xcb: {  	v46 =	vor.u32 s1, v3  }
0xcc: {  	v22 =	vld.idx.msk [tilespmem:v45+s31+$0x0], $0xffff  }
0xcd: {  	v23 =	vor.u32 s1, v4  }
0xce: {  	v20 =	vld.idx.msk [tilespmem:v20+s31+$0x0], $0xffff  }
0xcf: {  	v24 =	vor.u32 s1, v5;
	v19 =	vadd.f32 v19, v18  }
0xd0: {  	v21 =	vld.idx.msk [tilespmem:v46+s31+$0x0], $0xffff  }
0xd1: {  	v25 =	vor.u32 s1, v6;
	v19 =	vadd.f32 v22, v19  }
0xd2: {  	v47 =	vld.idx.msk [tilespmem:v23+s31+$0x0], $0xffff  }
0xd3: {  	v48 =	vor.u32 s1, v7;
	v19 =	vadd.f32 v20, v19  }
0xd4: {  	v20 =	vld.idx.msk [tilespmem:v24+s31+$0x0], $0xffff  }
0xd5: {  	v49 =	vor.u32 s1, v8;
	v19 =	vadd.f32 v21, v19  }
0xd6: {  	v50 =	vld.idx.msk [tilespmem:v25+s31+$0x0], $0xffff  }
0xd7: {  	v51 =	vor.u32 s1, v9;
	v19 =	vadd.f32 v47, v19  }
0xd8: {  	v52 =	vld.idx.msk [tilespmem:v48+s31+$0x0], $0xffff  }
0xd9: {  	v53 =	vor.u32 s1, v10;
	v19 =	vadd.f32 v20, v19  }
0xda: {  	v20 =	vld.idx.msk [tilespmem:v49+s31+$0x0], $0xffff  }
0xdb: {  	v54 =	vor.u32 s1, v11;
	v19 =	vadd.f32 v50, v19  }
0xdc: {  	v55 =	vld.idx.msk [tilespmem:v51+s31+$0x0], $0xffff  }
0xdd: {  	v56 =	vor.u32 s1, v12;
	v19 =	vadd.f32 v52, v19  }
0xde: {  	v57 =	vld.idx.msk [tilespmem:v53+s31+$0x0], $0xffff  }
0xdf: {  	v58 =	vor.u32 s1, v13;
	v19 =	vadd.f32 v20, v19  }
0xe0: {  	v20 =	vld.idx.msk [tilespmem:v54+s31+$0x0], $0xffff  }
0xe1: {  	v59 =	vor.u32 s1, v14;
	v19 =	vadd.f32 v55, v19  }
0xe2: {  	v60 =	vld.idx.msk [tilespmem:v56+s31+$0x0], $0xffff  }
0xe3: {  	v61 =	vor.u32 s1, v15;
	v19 =	vadd.f32 v57, v19  }
0xe4: {  	v62 =	vld.idx.msk [tilespmem:v58+s31+$0x0], $0xffff  }
0xe5: {  	v19 =	vadd.f32 v20, v19  }
0xe6: {  	v20 =	vld.idx.msk [tilespmem:v59+s31+$0x0], $0xffff  }
0xe7: {  	v19 =	vadd.f32 v60, v19  }
0xe8: {  	v63 =	vld.idx.msk [tilespmem:v61+s31+$0x0], $0xffff  }
0xe9: {  	v19 =	vadd.f32 v62, v19;
	_ =	sdelay $0x1  }
0xea: {  	v19 =	vadd.f32 v20, v19;
	_ =	sdelay $0x1  }
0xeb: {  	v19 =	vadd.f32 v63, v19;
	_ =	sdelay $0x1  }
0xec: {  	v19 =	vsub.f32 $0.0e+00, v19;
	_ =	sdelay $0x1  }
0xed: {  	v19 =	vmul.f32 $1.442695020e+00, v19;
	_ =	sdelay $0x1  }
0xee: {  	(erf) = vpow2.f32 v19;
	_ =	sdelay $0x1  }
0xef: {  	s17 =	simm.s32 $0x6430;
	s18 =	simm.s32 $0x100;
	s19 =	simm.s32 $0x6440  }
.LBB2_2:
0xf0: {  	s16 =	sadd.s32 $0x100, s16;
	s13 =	sadd.s32 $0x100, s13;
	s14 =	sadd.s32 $0x100, s14  }
0xf1: {  	p0 =	sne.s32 s18, $0x1F00;
	s20 =	smov.u32 s18;
	s18 =	sadd.s32 $0x100, s18  }
0xf2: {  	_ =	sdelay $0x3  }
0xf3: {  	v19 =	vpop (erf)  }
0xf4: {  	v19 =	vadd.f32 $1.000000000e+00, v19;
	_ =	sdelay $0x1  }
0xf5: {  	(erf) = vrcp.f32 v19;
	_ =	sdelay $0x8  }
0xf6: {  	v19 =	vpop (erf)  }
0xf7: {  	[tilespmem:s17+$0x0] =	vst v19;
	s17 =	smov.u32 s19  }
0xf8: {  	v19 =	vld [tilespmem:s13+$0xFFFFFF80]  }
0xf9: {  	v20 =	vld [tilespmem:s14+$0xFFFFFF80];
	_ =	sdelay $0x3  }
0xfa: {  	v21 =	vunpack.i.l.bf16.f32 v19  }
0xfb: {  	v19 =	vunpack.i.u.bf16.f32 v19;
	v22 =	vunpack.i.u.bf16.f32 v20;
	v20 =	vunpack.i.l.bf16.f32 v20  }
0xfc: {  	v20 =	vmul.f32 v21, v20;
	v19 =	vmul.f32 v19, v22;
	_ =	sdelay $0x1  }
0xfd: {  	v20 =	vmul.f32 v20, v16;
	v19 =	vmul.f32 v19, v17;
	_ =	sdelay $0x1  }
0xfe: {  	v19 =	vadd.f32 v20, v19;
	_ =	sdelay $0x1  }
0xff: {  	[tilespmem:s16+$0xFFFFFF80] =	vst v19  }
0x100: {  	v19 =	vld [tilespmem:s14+$0xFFFFFF90]  }
0x101: {  	v20 =	vld [tilespmem:s13+$0xFFFFFF90];
	_ =	sdelay $0x3  }
0x102: {  	v21 =	vunpack.i.l.bf16.f32 v19  }
0x103: {  	v19 =	vunpack.i.u.bf16.f32 v19;
	v22 =	vunpack.i.u.bf16.f32 v20;
	v20 =	vunpack.i.l.bf16.f32 v20  }
0x104: {  	v20 =	vmul.f32 v20, v21;
	v19 =	vmul.f32 v22, v19;
	_ =	sdelay $0x1  }
0x105: {  	v20 =	vmul.f32 v20, v16;
	v19 =	vmul.f32 v19, v17;
	_ =	sdelay $0x1  }
0x106: {  	v19 =	vadd.f32 v20, v19;
	_ =	sdelay $0x1  }
0x107: {  	[tilespmem:s16+$0xFFFFFF90] =	vst v19  }
0x108: {  	v19 =	vld [tilespmem:s14+$0xFFFFFFA0]  }
0x109: {  	v20 =	vld [tilespmem:s13+$0xFFFFFFA0];
	_ =	sdelay $0x3  }
0x10a: {  	v21 =	vunpack.i.l.bf16.f32 v19  }
0x10b: {  	v19 =	vunpack.i.u.bf16.f32 v19;
	v22 =	vunpack.i.u.bf16.f32 v20;
	v20 =	vunpack.i.l.bf16.f32 v20  }
0x10c: {  	v20 =	vmul.f32 v20, v21;
	v19 =	vmul.f32 v22, v19;
	_ =	sdelay $0x1  }
0x10d: {  	v20 =	vmul.f32 v20, v16;
	v19 =	vmul.f32 v19, v17;
	_ =	sdelay $0x1  }
0x10e: {  	v19 =	vadd.f32 v20, v19;
	_ =	sdelay $0x1  }
0x10f: {  	[tilespmem:s16+$0xFFFFFFA0] =	vst v19  }
0x110: {  	v19 =	vld [tilespmem:s14+$0xFFFFFFB0]  }
0x111: {  	v20 =	vld [tilespmem:s13+$0xFFFFFFB0];
	_ =	sdelay $0x3  }
0x112: {  	v21 =	vunpack.i.l.bf16.f32 v19  }
0x113: {  	v19 =	vunpack.i.u.bf16.f32 v19;
	v22 =	vunpack.i.u.bf16.f32 v20;
	v20 =	vunpack.i.l.bf16.f32 v20  }
0x114: {  	v20 =	vmul.f32 v20, v21;
	v19 =	vmul.f32 v22, v19;
	_ =	sdelay $0x1  }
0x115: {  	v20 =	vmul.f32 v20, v16;
	v19 =	vmul.f32 v19, v17;
	_ =	sdelay $0x1  }
0x116: {  	v19 =	vadd.f32 v20, v19;
	_ =	sdelay $0x1  }
0x117: {  	[tilespmem:s16+$0xFFFFFFB0] =	vst v19  }
0x118: {  	v19 =	vld [tilespmem:s14+$0xFFFFFFC0]  }
0x119: {  	v20 =	vld [tilespmem:s13+$0xFFFFFFC0];
	_ =	sdelay $0x3  }
0x11a: {  	v21 =	vunpack.i.l.bf16.f32 v19  }
0x11b: {  	v19 =	vunpack.i.u.bf16.f32 v19;
	v22 =	vunpack.i.u.bf16.f32 v20;
	v20 =	vunpack.i.l.bf16.f32 v20  }
0x11c: {  	v20 =	vmul.f32 v20, v21;
	v19 =	vmul.f32 v22, v19;
	_ =	sdelay $0x1  }
0x11d: {  	v20 =	vmul.f32 v20, v16;
	v19 =	vmul.f32 v19, v17;
	_ =	sdelay $0x1  }
0x11e: {  	v19 =	vadd.f32 v20, v19;
	_ =	sdelay $0x1  }
0x11f: {  	[tilespmem:s16+$0xFFFFFFC0] =	vst v19  }
0x120: {  	v19 =	vld [tilespmem:s14+$0xFFFFFFD0]  }
0x121: {  	v20 =	vld [tilespmem:s13+$0xFFFFFFD0];
	_ =	sdelay $0x3  }
0x122: {  	v21 =	vunpack.i.u.bf16.f32 v19  }
0x123: {  	v19 =	vunpack.i.l.bf16.f32 v19;
	v22 =	vunpack.i.u.bf16.f32 v20;
	v20 =	vunpack.i.l.bf16.f32 v20  }
0x124: {  	v19 =	vmul.f32 v20, v19;
	v20 =	vmul.f32 v22, v21;
	_ =	sdelay $0x1  }
0x125: {  	v19 =	vmul.f32 v19, v16;
	v20 =	vmul.f32 v20, v17;
	_ =	sdelay $0x1  }
0x126: {  	v19 =	vadd.f32 v19, v20;
	_ =	sdelay $0x1  }
0x127: {  	[tilespmem:s16+$0xFFFFFFD0] =	vst v19  }
0x128: {  	v19 =	vld [tilespmem:s14+$0xFFFFFFE0]  }
0x129: {  	v20 =	vld [tilespmem:s13+$0xFFFFFFE0];
	_ =	sdelay $0x3  }
0x12a: {  	v21 =	vunpack.i.u.bf16.f32 v19;
	v19 =	vunpack.i.l.bf16.f32 v19  }
0x12b: {  	v22 =	vunpack.i.u.bf16.f32 v20;
	v20 =	vunpack.i.l.bf16.f32 v20  }
0x12c: {  	v19 =	vmul.f32 v20, v19;
	v20 =	vmul.f32 v22, v21;
	_ =	sdelay $0x1  }
0x12d: {  	v19 =	vmul.f32 v19, v16;
	v20 =	vmul.f32 v20, v17;
	_ =	sdelay $0x1  }
0x12e: {  	v19 =	vadd.f32 v19, v20;
	_ =	sdelay $0x1  }
0x12f: {  	[tilespmem:s16+$0xFFFFFFE0] =	vst v19  }
0x130: {  	v19 =	vld [tilespmem:s13+$0xFFFFFFF0]  }
0x131: {  	v20 =	vld [tilespmem:s14+$0xFFFFFFF0];
	_ =	sdelay $0x3  }
0x132: {  	v21 =	vunpack.i.u.bf16.f32 v19;
	v19 =	vunpack.i.l.bf16.f32 v19  }
0x133: {  	v22 =	vunpack.i.u.bf16.f32 v20;
	v20 =	vunpack.i.l.bf16.f32 v20  }
0x134: {  	v19 =	vmul.f32 v19, v20;
	v20 =	vmul.f32 v21, v22;
	_ =	sdelay $0x1  }
0x135: {  	v19 =	vmul.f32 v19, v16;
	v20 =	vmul.f32 v20, v17;
	_ =	sdelay $0x1  }
0x136: {  	v19 =	vadd.f32 v19, v20;
	_ =	sdelay $0x1  }
0x137: {  	[tilespmem:s16+$0xFFFFFFF0] =	vst v19  }
0x138: {  	v19 =	vld [tilespmem:s14+$0x0]  }
0x139: {  	v20 =	vld [tilespmem:s13+$0x0];
	_ =	sdelay $0x3  }
0x13a: {  	v21 =	vunpack.i.l.bf16.f32 v19  }
0x13b: {  	v19 =	vunpack.i.u.bf16.f32 v19;
	v22 =	vunpack.i.u.bf16.f32 v20;
	v20 =	vunpack.i.l.bf16.f32 v20  }
0x13c: {  	v20 =	vmul.f32 v20, v21;
	v19 =	vmul.f32 v22, v19;
	_ =	sdelay $0x1  }
0x13d: {  	v20 =	vmul.f32 v20, v16;
	v19 =	vmul.f32 v19, v17;
	_ =	sdelay $0x1  }
0x13e: {  	v19 =	vadd.f32 v20, v19;
	_ =	sdelay $0x1  }
0x13f: {  	[tilespmem:s16+$0x0] =	vst v19  }
0x140: {  	v19 =	vld [tilespmem:s14+$0x10]  }
0x141: {  	v20 =	vld [tilespmem:s13+$0x10];
	_ =	sdelay $0x3  }
0x142: {  	v21 =	vunpack.i.l.bf16.f32 v19  }
0x143: {  	v19 =	vunpack.i.u.bf16.f32 v19;
	v22 =	vunpack.i.u.bf16.f32 v20;
	v20 =	vunpack.i.l.bf16.f32 v20  }
0x144: {  	v20 =	vmul.f32 v20, v21;
	v19 =	vmul.f32 v22, v19;
	_ =	sdelay $0x1  }
0x145: {  	v20 =	vmul.f32 v20, v16;
	v19 =	vmul.f32 v19, v17;
	_ =	sdelay $0x1  }
0x146: {  	v19 =	vadd.f32 v20, v19;
	_ =	sdelay $0x1  }
0x147: {  	[tilespmem:s16+$0x10] =	vst v19  }
0x148: {  	v19 =	vld [tilespmem:s14+$0x20]  }
0x149: {  	v20 =	vld [tilespmem:s13+$0x20];
	_ =	sdelay $0x3  }
0x14a: {  	v21 =	vunpack.i.l.bf16.f32 v19  }
0x14b: {  	v19 =	vunpack.i.u.bf16.f32 v19;
	v22 =	vunpack.i.u.bf16.f32 v20;
	v20 =	vunpack.i.l.bf16.f32 v20  }
0x14c: {  	v20 =	vmul.f32 v20, v21;
	v19 =	vmul.f32 v22, v19;
	_ =	sdelay $0x1  }
0x14d: {  	v20 =	vmul.f32 v20, v16;
	v19 =	vmul.f32 v19, v17;
	_ =	sdelay $0x1  }
0x14e: {  	v19 =	vadd.f32 v20, v19;
	_ =	sdelay $0x1  }
0x14f: {  	[tilespmem:s16+$0x20] =	vst v19  }
0x150: {  	v19 =	vld [tilespmem:s14+$0x30]  }
0x151: {  	v20 =	vld [tilespmem:s13+$0x30];
	_ =	sdelay $0x3  }
0x152: {  	v21 =	vunpack.i.l.bf16.f32 v19  }
0x153: {  	v19 =	vunpack.i.u.bf16.f32 v19;
	v22 =	vunpack.i.u.bf16.f32 v20;
	v20 =	vunpack.i.l.bf16.f32 v20  }
0x154: {  	v20 =	vmul.f32 v20, v21;
	v19 =	vmul.f32 v22, v19;
	_ =	sdelay $0x1  }
0x155: {  	v20 =	vmul.f32 v20, v16;
	v19 =	vmul.f32 v19, v17;
	_ =	sdelay $0x1  }
0x156: {  	v19 =	vadd.f32 v20, v19;
	_ =	sdelay $0x1  }
0x157: {  	[tilespmem:s16+$0x30] =	vst v19  }
0x158: {  	v19 =	vld [tilespmem:s14+$0x40]  }
0x159: {  	v20 =	vld [tilespmem:s13+$0x40];
	_ =	sdelay $0x3  }
0x15a: {  	v21 =	vunpack.i.l.bf16.f32 v19  }
0x15b: {  	v19 =	vunpack.i.u.bf16.f32 v19;
	v22 =	vunpack.i.u.bf16.f32 v20;
	v20 =	vunpack.i.l.bf16.f32 v20  }
0x15c: {  	v20 =	vmul.f32 v20, v21;
	v19 =	vmul.f32 v22, v19;
	_ =	sdelay $0x1  }
0x15d: {  	v20 =	vmul.f32 v20, v16;
	v19 =	vmul.f32 v19, v17;
	_ =	sdelay $0x1  }
0x15e: {  	v19 =	vadd.f32 v20, v19;
	_ =	sdelay $0x1  }
0x15f: {  	[tilespmem:s16+$0x40] =	vst v19  }
0x160: {  	v19 =	vld [tilespmem:s14+$0x50]  }
0x161: {  	v20 =	vld [tilespmem:s13+$0x50];
	_ =	sdelay $0x3  }
0x162: {  	v21 =	vunpack.i.l.bf16.f32 v19  }
0x163: {  	v19 =	vunpack.i.u.bf16.f32 v19;
	v22 =	vunpack.i.u.bf16.f32 v20;
	v20 =	vunpack.i.l.bf16.f32 v20  }
0x164: {  	v20 =	vmul.f32 v20, v21;
	v19 =	vmul.f32 v22, v19;
	_ =	sdelay $0x1  }
0x165: {  	v20 =	vmul.f32 v20, v16;
	v19 =	vmul.f32 v19, v17;
	_ =	sdelay $0x1  }
0x166: {  	v19 =	vadd.f32 v20, v19;
	_ =	sdelay $0x1  }
0x167: {  	[tilespmem:s16+$0x50] =	vst v19  }
0x168: {  	v19 =	vld [tilespmem:s14+$0x60]  }
0x169: {  	v20 =	vld [tilespmem:s13+$0x60];
	_ =	sdelay $0x3  }
0x16a: {  	v21 =	vunpack.i.l.bf16.f32 v19  }
0x16b: {  	v19 =	vunpack.i.u.bf16.f32 v19;
	v22 =	vunpack.i.u.bf16.f32 v20;
	v20 =	vunpack.i.l.bf16.f32 v20  }
0x16c: {  	v20 =	vmul.f32 v20, v21;
	v19 =	vmul.f32 v22, v19;
	_ =	sdelay $0x1  }
0x16d: {  	v20 =	vmul.f32 v20, v16;
	v19 =	vmul.f32 v19, v17;
	_ =	sdelay $0x1  }
0x16e: {  	v19 =	vadd.f32 v20, v19;
	_ =	sdelay $0x1  }
0x16f: {  	[tilespmem:s16+$0x60] =	vst v19  }
0x170: {  	v19 =	vld [tilespmem:s14+$0x70]  }
0x171: {  	v20 =	vld [tilespmem:s13+$0x70];
	_ =	sdelay $0x3  }
0x172: {  	v21 =	vunpack.i.l.bf16.f32 v19  }
0x173: {  	v19 =	vunpack.i.u.bf16.f32 v19;
	v22 =	vunpack.i.u.bf16.f32 v20;
	v20 =	vunpack.i.l.bf16.f32 v20  }
0x174: {  	v20 =	vmul.f32 v20, v21;
	v19 =	vmul.f32 v22, v19;
	_ =	sdelay $0x1  }
0x175: {  	v21 =	vor.u32 s20, v0;
	v20 =	vmul.f32 v20, v16;
	v19 =	vmul.f32 v19, v17  }
0x176: {  	v22 =	vor.u32 s20, v1  }
0x177: {  	v19 =	vadd.f32 v20, v19;
	v20 =	vor.u32 s20, v2  }
0x178: {  	v23 =	vor.u32 s20, v3  }
0x179: {  	[tilespmem:s16+$0x70] =	vst v19;
	v19 =	vor.u32 s20, v4  }
0x17a: {  	v24 =	vor.u32 s20, v5;
	v21 =	vld.idx.msk [tilespmem:v21+s31+$0x0], $0xffff  }
0x17b: {  	v25 =	vor.u32 s20, v6;
	v22 =	vld.idx.msk [tilespmem:v22+s31+$0x0], $0xffff  }
0x17c: {  	v26 =	vor.u32 s20, v7;
	v20 =	vld.idx.msk [tilespmem:v20+s31+$0x0], $0xffff  }
0x17d: {  	v27 =	vor.u32 s20, v8;
	v23 =	vld.idx.msk [tilespmem:v23+s31+$0x0], $0xffff  }
0x17e: {  	v28 =	vor.u32 s20, v9;
	v19 =	vld.idx.msk [tilespmem:v19+s31+$0x0], $0xffff  }
0x17f: {  	v29 =	vor.u32 s20, v10;
	v24 =	vld.idx.msk [tilespmem:v24+s31+$0x0], $0xffff  }
0x180: {  	v30 =	vor.u32 s20, v11;
	v21 =	vadd.f32 v21, v18;
	v25 =	vld.idx.msk [tilespmem:v25+s31+$0x0], $0xffff  }
0x181: {  	v31 =	vor.u32 s20, v12;
	v26 =	vld.idx.msk [tilespmem:v26+s31+$0x0], $0xffff  }
0x182: {  	v21 =	vadd.f32 v22, v21;
	v22 =	vld.idx.msk [tilespmem:v27+s31+$0x0], $0xffff;
	v27 =	vor.u32 s20, v13  }
0x183: {  	v32 =	vor.u32 s20, v14;
	v28 =	vld.idx.msk [tilespmem:v28+s31+$0x0], $0xffff  }
0x184: {  	v20 =	vadd.f32 v20, v21;
	v21 =	vld.idx.msk [tilespmem:v29+s31+$0x0], $0xffff;
	v29 =	vor.u32 s20, v15  }
0x185: {  	v30 =	vld.idx.msk [tilespmem:v30+s31+$0x0], $0xffff  }
0x186: {  	v20 =	vadd.f32 v23, v20;
	v23 =	vld.idx.msk [tilespmem:v31+s31+$0x0], $0xffff  }
0x187: {  	v27 =	vld.idx.msk [tilespmem:v27+s31+$0x0], $0xffff  }
0x188: {  	v19 =	vadd.f32 v19, v20;
	v20 =	vld.idx.msk [tilespmem:v32+s31+$0x0], $0xffff  }
0x189: {  	v29 =	vld.idx.msk [tilespmem:v29+s31+$0x0], $0xffff  }
0x18a: {  	v19 =	vadd.f32 v24, v19;
	_ =	sdelay $0x1  }
0x18b: {  	v19 =	vadd.f32 v25, v19;
	_ =	sdelay $0x1  }
0x18c: {  	v19 =	vadd.f32 v26, v19;
	_ =	sdelay $0x1  }
0x18d: {  	v19 =	vadd.f32 v22, v19;
	_ =	sdelay $0x1  }
0x18e: {  	v19 =	vadd.f32 v28, v19;
	_ =	sdelay $0x1  }
0x18f: {  	v19 =	vadd.f32 v21, v19;
	_ =	sdelay $0x1  }
0x190: {  	v19 =	vadd.f32 v30, v19;
	_ =	sdelay $0x1  }
0x191: {  	v19 =	vadd.f32 v23, v19;
	_ =	sdelay $0x1  }
0x192: {  	v19 =	vadd.f32 v27, v19;
	_ =	sdelay $0x1  }
0x193: {  	v19 =	vadd.f32 v20, v19;
	_ =	sdelay $0x1  }
0x194: {  	v19 =	vadd.f32 v29, v19;
	_ =	sdelay $0x1  }
0x195: {  	v19 =	vsub.f32 $0.0e+00, v19;
	_ =	sdelay $0x1  }
.Ltmp0:
0x196: {  	v19 =	vmul.f32 $1.442695020e+00, v19;
	(pc) =	sbr.rel @p0 .LBB2_2-.Ltmp0, $3  }
0x197: {  	_ = 	snop  }
0x198: {  	(erf) = vpow2.f32 v19;
	_ =	sdelay $0x1  }
0x199: {  	s19 =	sadd.s32 $0x10, s19  }
0x19a: {  	_ =	sdelay $0x5  }
0x19b: {  	v16 =	vpop (erf)  }
0x19c: {  	v16 =	vadd.f32 $1.000000000e+00, v16;
	_ =	sdelay $0x1  }
0x19d: {  	(erf) = vrcp.f32 v16;
	_ =	sdelay $0x7  }
0x19e: {  	s2 =	sadd.s32 $0x1, s2  }
0x19f: {  	p0 =	sne.s32 s2, s10;
	v16 =	vpop (erf)  }
.Ltmp1:
0x1a0: {  	[tilespmem:s17+$0x0] =	vst v16;
	(pc) =	sbr.rel @p0 .LBB2_1-.Ltmp1, $4  }
0x1a1: {  	[hbm4b:s9+s1] =	stream.linear.scatter [tilespmem:s0], [sflag:$0x2], $0x200, $0x38;
	[tilespmem:$0x6630] =	vst v63  }
0x1a2: {  	_ =	swait.ge [sflag:s11], $0x200  }
0x1a3: {  	[sflag:s11] =	ssyncset.done $0x0  }
0x1a4: {  	[sflag:s11] =	ssyncadd.s32 $0xFFFFFE00  }
0x1a5: {  	_ =	sfence.sel $0x180000  }
0x1a6: {  	[bflag:$0x0] =	sbarrier.arrive $0xFFFF  }
0x1a7: {  	_ =	strace $0x90000053  }
0x1a8: {  	s0 =	stileid.u32;
	[bflag:$0x2] =	sbarrier.arrive $0xFFFF  }
0x1a9: {  	p0 =	sne.s32 s0, $0x0;
	s0 =	rddreg [dreg:$0x4]  }
0x1aa: {  	s0 =	sadd.s32 @!p0 $0x100000, s0  }
0x1ab: {  	[sflag:s0] =	ssyncadd.tile.s32 @!p0 $0x1;
	_ =	shalt  }
.Lfunc_end2:
_tile_overlayer_lowered:
.L_overlay_start_2:
0x1ac: {  	(tag) =	ssettag $0x2  }
0x1ad: {  	s0 =	rddreg [dreg:$0x0];
	s2 =	stileid.u32  }
0x1ae: {  	s1 =	rddreg [dreg:$0x1];
	p0 =	sne.s32 s2, $0x0  }
0x1af: {  	s3 =	rddreg [dreg:$0x2];
	[bflag:$0x3] =	sbarrier.arrive $0xFFFF;
	s2 =	simm.s32 @!p0 $0x1C02  }
0x1b0: {  	[timem:s3], [sflag:s2] =	dma.local @!p0 [hbm:s0], s1  }
0x1b1: {  	s0 =	simm.s32 @!p0 $0x2  }
0x1b2: {  	_ =	swait.ge @!p0 [sflag:s0], s1  }
0x1b3: {  	s1 =	ssub.s32 @!p0 $0x0, s1;
	[sflag:s0] =	ssyncset.done @!p0 $0x0  }
0x1b4: {  	[sflag:s0] =	ssyncadd.s32 @!p0 s1  }
0x1b5: {  	[bflag:$0x3] =	sbarrier.arrive $0xFFFF  }
0x1b6: {  	_ =	shalt  }

// kernel: sparse-core-data-format-call.1.cloned.1.call-start
scs
called_computation.1_lowered:
.L_overlay_start_0:
0x0: {  	s2 =	sld [smem:$0x3FD9]  }
0x1: {  	s3 =	sld [smem:$0x3FFE];
	_ =	sdelay $0x1  }
0x2: {  	s1 =	srdreg.scid  }
0x3: {  	s0 =	sand.u32 $0x1, s1  }
0x4: {  	s18 =	sshll.u32 s0, $0xA;
	s2 =	sadd.s32 s3, s2  }
0x5: {  	s2 =	sadd.s32 s2, s18  }
0x6: {  	[smem:$0x3FC2] =	sst s2  }
0x7: {  	_ = 	snop  }
0x8: {  	(tm) =	ssettm $0x1  }
0x9: {  	s19 =	sld [smem:$0x3FFB];
	_ =	sdelay $0x3  }
0xa: {  	_ =	strace s19  }
0xb: {  	s2 =	sld [smem:$0x3FFC];
	_ =	sdelay $0x3  }
0xc: {  	_ =	strace s2  }
0xd: {  	s2 =	sld [smem:$0x3FFD];
	_ =	sdelay $0x3  }
0xe: {  	_ =	strace s2  }
0xf: {  	_ =	strace $0x8FFFFFFF  }
0x10: {  	s20 =	sld [smem:$0x3FDB];
	_ =	sdelay $0x1  }
0x11: {  	s21 =	simm.s32 $_scs_section_size  }
0x12: {  	s4 =	simm.s32 $_size__tile_overlayer_lowered;
	s5 =	simm.s32 $_tile_overlayer_lowered  }
0x13: {  	s6 =	simm.s32 $0x1BFF;
	s22 =	sshll.u32 s5, $0x1;
	s3 =	sadd.s32 s21, s20  }
0x14: {  	s23 =	simm.s32 $0x0;
	s4 =	sshll.u32 s4, $0x1;
	s5 =	sadd.s32 s22, s3  }
0x15: {  	[timem:s23], [sflag:s6] =	dma.local [hbm:s5], s4  }
0x16: {  	_ =	swait.ge [sflag:s6], s4  }
0x17: {  	s4 =	ssub.s32 $0x0, s4;
	[sflag:s6] =	ssyncset.done $0x0  }
0x18: {  	[sflag:s6] =	ssyncadd.s32 s4;
	_ =	sdelay $0x1  }
0x19: {  	s24 =	simm.s32 $0x1B8B  }
0x1a: {  	_ =	swait.ge [sflag:s24], $0x1  }
0x1b: {  	[sflag:s24] =	ssyncset.done $0x0  }
0x1c: {  	[sflag:s24] =	ssyncadd.s32 $0xFFFFFFFF  }
0x1d: {  	s4 =	sld [smem:$0x0]  }
0x1e: {  	s5 =	sand.u32 $0xFFFFFFFE, s1  }
0x1f: {  	p0 =	sne.s32 s1, s5  }
0x20: {  	s5 =	sshll.u32 @p0 s5, $0xE  }
0x21: {  	s5 =	sadd.s32 @p0 $0x11B8D, s5;
	s6 =	sshll.u32 @p0 s4, $0x11  }
0x22: {  	s5 =	sor.u32 @p0 s6, s5  }
0x23: {  	[sflag:s5] =	ssyncadd.remote.s32 @p0 $0x1;
	_ =	sdelay $0x1  }
0x24: {  	s5 =	simm.s32 @p0 $0x1B8D  }
0x25: {  	_ =	swait.eq @p0 [sflag:s5], $0x1  }
0x26: {  	[sflag:s5] =	ssyncadd.s32 @p0 $0xFFFFFFFF  }
0x27: {  	s6 =	sshll.u32 @!p0 s1, $0xE  }
0x28: {  	s6 =	sor.u32 @!p0 $0x4000, s6;
	s5 =	simm.s32 @!p0 $0x1B8D  }
0x29: {  	s4 =	sshll.u32 @!p0 s4, $0x11;
	s6 =	sadd.s32 @!p0 $0x11B8D, s6;
	_ =	swait.eq @!p0 [sflag:s5], $0x1  }
0x2a: {  	s4 =	sor.u32 @!p0 s4, s6;
	[sflag:s5] =	ssyncadd.s32 @!p0 $0xFFFFFFFF  }
0x2b: {  	s26 =	simm.s32 $0x1B8E;
	s25 =	sld [smem:$0x3FFE];
	[sflag:s4] =	ssyncadd.remote.s32 @!p0 $0x1  }
0x2c: {  	s27 =	simm.s32 $execute0_lowered;
	[smem:$0x3FD2] =	sst s26  }
0x2d: {  	s5 =	sshll.u32 s27, $0x1;
	_ =	strace $0x80000049;
	[dreg:$0x1] =	wrdreg $0xFFFFFFFF  }
0x2e: {  	s28 =	simm.s32 $_size_execute0_lowered;
	s3 =	sadd.s32 s3, s5;
	[dreg:$0x0] =	wrdreg $0x0  }
0x2f: {  	s5 =	sshll.u32 s28, $0x1;
	[dreg:$0x2] =	wrdreg s3  }
0x30: {  	[dreg:$0x3] =	wrdreg s5  }
0x31: {  	[dreg:$0x4] =	wrdreg $0xC0  }
0x32: {  	_ =	task [dreg:s23], $0x5FFFF  }
0x33: {  	[dreg:$0x1] =	wrdreg $0xFFFFFFFF  }
0x34: {  	[dreg:$0x0] =	wrdreg $0x60  }
0x35: {  	[dreg:$0x2] =	wrdreg s25  }
0x36: {  	[dreg:$0x3] =	wrdreg $0x9  }
0x37: {  	_ =	task.clear_ibuf [dreg:s23], $0x4FFFF;
	_ =	strace $0x90000049  }
0x38: {  	s29 =	simm.s32 $0x9;
	_ =	strace $0x8000004B  }
0x39: {  	_ =	swait.ge [sflag:s29], $0x1  }
0x3a: {  	[sflag:s29] =	ssyncadd.s32 $0xFFFFFFFF  }
0x3b: {  	_ =	strace $0x9000004B  }
0x3c: {  	_ =	sfence  }
0x3d: {  	s30 =	sld [smem:$0x0];
	_ =	sdelay $0x2  }
0x3e: {  	s31 =	sshll.u32 s1, $0xD;
	s1 =	sshrl.u32 s1, $0x2  }
0x3f: {  	s4 =	sand.u32 $0x4000, s31;
	s1 =	sadd.s32 s1, s30  }
0x40: {  	s0 =	sor.u32 s4, s0;
	s1 =	sshll.u32 s1, $0x11  }
0x41: {  	s0 =	sor.u32 s1, s0  }
0x42: {  	s0 =	sadd.s32 $0x8F2B, s0  }
0x43: {  	[sflag:s0] =	ssyncadd.remote.s32 $0x1  }
0x44: {  	_ =	sfence.sel $0xFFFF  }
0x45: {  	[dreg:$0x0] =	wrdreg $0xFFFFFFFF;
	(pc) =	sbr.abs _section_cstart, $3  }
0x46: {  	[dreg:$0x1] =	wrdreg $0xFFFFFFFF  }
0x47: {  	_ =	task.clear_ibuf [dreg:s23], $0x2FFFF;
	_ =	strace $0x9FFFFFFF  }
0x48: {  	(tm) =	ssettm $0x7FFFFFFF  }
0x49: {  	_ =	shalt  }
tec
execute0_lowered:
.L_overlay_start_1:
0x0: {  	(tag) =	ssettag $0x1  }
0x1: {  	s0 =	srdreg.scid  }
0x2: {  	s5 =	rddreg [dreg:$0x0];
	s1 =	stileid.u32;
	s4 =	simm.s32 $0x1  }
0x3: {  	s6 =	simm.s32 $0x2;
	s15 =	simm.s32 $0x0;
	p0 =	por $0x0, $0x0  }
0x4: {  	s8 =	simm.s32 $0x80;
	s14 =	simm.s32 $0x0;
	s2 =	sshll.u32 s0, $0x4  }
0x5: {  	s9 =	simm.s32 $0x0;
	s10 =	simm.s32 $0x0;
	s2 =	sand.u32 $0x10, s2  }
.Ltmp0:
0x6: {  	s12 =	simm.s32 $0x0;
	s3 =	sor.u32 s1, s2;
	(pc) =	sbr.rel .LBB1_1-.Ltmp0, $4  }
0x7: {  	s0 =	rddreg [dreg:$0x1];
	_ =	strace $0x8000004A;
	s3 =	sshll.u32 s3, $0x7  }
0x8: {  	s13 =	simm.s32 $0x0;
	[sflag:s4] =	ssyncpa.u1 $0x0;
	s7 =	ssub.s32 $0xF4200, s3  }
0x9: {  	s2 =	sadd.s32 $0x98AE00, s5;
	[sflag:s6] =	ssyncpa.u1 $0x0;
	s6 =	sshrl.u32 s7, $0xC  }
0xa: {  	s5 =	sadd.s32 $0xB73400, s5;
	s11 =	smov.u32 s3;
	s7 =	sadd.s32 $0x2, s6  }
.LBB1_5:
0xb: {  	p1 =	slt.u32 s13, $0x2  }
0xc: {  	s17 =	smov.u32 s15;
	p2 =	sgt.s32 @!p1 s15, $0xF41C0;
	s16 =	sshra.s32 @!p1 s15, $0x1F  }
0xd: {  	p3 =	sgt.s32 @!p1 s14, $0x60;
	s18 =	sshra.s32 @!p1 s14, $0x1F;
	p2 =	por !p2, p1  }
0xe: {  	s15 =	sand.u32 @!p1 s16, s15;
	p3 =	por !p3, p1;
	s16 =	smov.u32 s14  }
0xf: {  	s14 =	sand.u32 @!p1 s18, s14;
	s17 =	simm.s32 @p2 $0xF41C0;
	s16 =	simm.s32 @p3 $0x60  }
0x10: {  	s15 =	ssub.s32 @!p1 s17, s15;
	s14 =	ssub.s32 @!p1 s16, s14  }
0x11: {  	s18 =	smov.u32 s12;
	s16 =	sadd.s32 @!p1 $0xFFF0BE40, s15;
	s17 =	sadd.s32 @!p1 $0xFFFFFFA0, s14  }
0x12: {  	s15 =	ssub.s32 @!p1 $0xF4240, s15;
	p2 =	sgt.s32 @!p1 s16, $0x7F;
	p3 =	sgt.s32 @!p1 s17, $0x1F  }
0x13: {  	s14 =	ssub.s32 @!p1 $0x80, s14;
	p2 =	por !p2, p1;
	p3 =	por !p3, p1  }
0x14: {  	s16 =	sadd.s32 $0x1000, s11;
	s15 =	simm.s32 @!p2 $0x0;
	s14 =	simm.s32 @!p3 $0x0  }
0x15: {  	p2 =	sgt.s32 s16, $0xF423F;
	s14 =	smul.u32 @!p1 s14, s15;
	s15 =	sadd.s32 $0x20, s12  }
0x16: {  	s18 =	smov.u32 @p2 s15  }
0x17: {  	s16 =	smov.u32 @p2 s3;
	p2 =	sgt.s32 s18, $0x1F  }
0x18: {  	p0 =	por !p0, !p0;
	s18 =	simm.s32 @p2 $0x0;
	p2 =	sne.s32 s13, s7  }
.Ltmp1:
0x19: {  	s17 =	simm.s32 @!p1 $0x2;
	s14 =	sshrl.u32 @!p1 s14, $0x1;
	(pc) =	sbr.rel @!p2 .LBB1_6-.Ltmp1, $4  }
0x1a: {  	s15 =	smov.u32 s9;
	s9 =	smov.u32 s11;
	s14 =	sand.u32 @!p1 $0x3FFFFFFF, s14  }
0x1b: {  	s11 =	smov.u32 s16;
	s13 =	sadd.s32 $0x1, s13;
	_ =	swait.ge @!p1 [sflag:s17], s14  }
0x1c: {  	s19 =	ssub.s32 @!p1 $0x0, s14;
	s14 =	smov.u32 s10;
	[sflag:s17] =	ssyncset.done @!p1 $0x0  }
0x1d: {  	s10 =	smov.u32 s12;
	s12 =	smov.u32 s18;
	[sflag:s17] =	ssyncadd.s32 @!p1 s19  }
.LBB1_1:
0x1e: {  	p1 =	sgt.u32 s13, s6  }
0x1f: {  	s16 =	sshrl.u32 @!p1 s12, $0x3  }
0x20: {  	s17 =	sshll.u32 @!p1 s11, $0x3;
	s16 =	smul.u32 @!p1 $0x7A1400, s16  }
0x21: {  	s18 =	sshll.u32 @!p1 s12, $0x7;
	s17 =	sand.u32 @!p1 $0xFFFFFC00, s17  }
0x22: {  	s16 =	sadd.s32 @!p1 s16, s17;
	s17 =	sand.u32 @!p1 $0x300, s18;
	s18 =	sshll.u32 @!p1 s11, $0x1  }
0x23: {  	s16 =	sor.u32 @!p1 s17, s16;
	s17 =	sand.u32 @!p1 $0xFE, s18  }
0x24: {  	s18 =	sand.u32 @!p1 $0x1, s12;
	s16 =	sor.u32 @!p1 s17, s16  }
0x25: {  	s17 =	sor.u32 @!p1 s18, s16  }
0x26: {  	s18 =	smulhi.u32 @!p1 $0x218D6287, s17;
	_ =	sdelay $0x1  }
0x27: {  	s16 =	smulhi.u32 @!p1 $0x218D6287, s16;
	s18 =	sshrl.u32 @!p1 s18, $0x11  }
0x28: {  	s18 =	smul.u32 @!p1 $0xF4280, s18  }
0x29: {  	s16 =	sshrl.u32 @!p1 s16, $0x11  }
0x2a: {  	s16 =	sand.u32 @!p1 $0x1F, s16;
	s17 =	ssub.s32 @!p1 s17, s18  }
0x2b: {  	s16 =	smul.u32 @!p1 $0xF428, s16;
	s18 =	sshrl.u32 @!p1 s17, $0x4  }
0x2c: {  	s19 =	sxor.u32 @!p1 $0xFFFFFFFF, s13;
	s17 =	sshll.u32 @!p1 s17, $0x11;
	s18 =	sadd.s32 @!p1 s2, s18  }
0x2d: {  	s17 =	sand.u32 @!p1 $0x1C0000, s17;
	s16 =	sadd.s32 @!p1 s16, s18;
	s18 =	sshll.u32 @!p1 s19, $0xB  }
0x2e: {  	s17 =	sor.u32 @!p1 $0x200, s17;
	s19 =	simm.s32 @!p1 $0x3D0A00;
	s18 =	sand.u32 @!p1 $0x800, s18  }
0x2f: {  	[tilespmem:s18], [sflag:$0x1] =	stream.strided.gather @!p1 [hbm4b:s16+s17], $0x800, s19, s17, $0x38;
	[tilespmem:$0x2080] =	vst v63  }
0x30: {  	p1 =	seq.s32 s13, $0x0  }
0x31: {  	p2 =	sge.u32 @!p1 s13, s7  }
0x32: {  	p1 =	por p1, p2  }
.Ltmp2:
0x33: {  	_ = 	snop;
	(pc) =	sbr.rel @p1 .LBB1_5-.Ltmp2, $1  }
0x34: {  	_ =	sdelay $0x3  }
0x35: {  	s16 =	simm.s32 $0x1  }
0x36: {  	_ =	swait.ge [sflag:s4], $0x800;
	s16 =	simm.s32 @!p0 $0x0  }
0x37: {  	[sflag:s4] =	ssyncset.done $0x0;
	s16 =	sshll.u32 s16, $0xB  }
0x38: {  	[sflag:s4] =	ssyncadd.s32 $0xFFFFF800;
	s16 =	sor.u32 $0x40, s16  }
0x39: {  	v0 =	vld [tilespmem:s16+$0x20]  }
0x3a: {  	v1 =	vld [tilespmem:s16+$0x30]  }
0x3b: {  	v2 =	vld [tilespmem:s16+$0xFFFFFFD0]  }
0x3c: {  	v5 =	vld [tilespmem:s16+$0x0]  }
0x3d: {  	v6 =	vld [tilespmem:s16+$0x10]  }
0x3e: {  	s17 =	sand.u32 $0x1, s13;
	v3 =	vld [tilespmem:s16+$0xFFFFFFE0]  }
0x3f: {  	s17 =	smul.u32 $0x2100, s17;
	v4 =	vld [tilespmem:s16+$0xFFFFFFF0]  }
0x40: {  	s18 =	simm.s32 $0x0;
	v1 =	vperm.xlane.i2c.b16 v1  }
0x41: {  	s19 =	sand.u32 $0x1C, s18;
	s17 =	sshrl.u32 s17, $0x2;
	v8 =	vld [tilespmem:s16+$0xFFFFFFC0];
	s20 =	sadd.s32 $0x80, s16;
	v7 =	vperm.xlane.i2c.b16 v0;
	v0 =	vperm.xlane.i2c.b16 v2  }
0x42: {  	s30 =	sand.u32 $0x20, s18;
	s31 =	sshrl.u32 s19, $0x1;
	s16 =	sor.u32 $0x1000, s17;
	v11 =	vld [tilespmem:s20+$0x30];
	v10 =	vperm.xlane.i2c.b16 v5;
	v13 =	vperm.xlane.i2c.b16 v6  }
0x43: {  	s17 =	sshrl.u32 s30, $0x1;
	s18 =	sadd.s32 s31, s16;
	v2 =	vld [tilespmem:s20+$0x20];
	v3 =	vperm.xlane.i2c.b16 v3;
	v9 =	vcombine.low v7, v1  }
0x44: {  	v12 =	vld [tilespmem:s20+$0xFFFFFFD0];
	s17 =	sadd.s32 s17, s18;
	v4 =	vperm.xlane.i2c.b16 v4;
	v14 =	vcombine.low v10, v13  }
0x45: {  	v1 =	vcombine.high v7, v1;
	v7 =	vld [tilespmem:s20+$0xFFFFFFE0];
	[tilespmem:s17+$0x630 ss:$0x21] =	vst.msk $0xffff, v9  }
0x46: {  	v6 =	vld [tilespmem:s20+$0xFFFFFFF0];
	v5 =	vperm.xlane.i2c.b16 v8;
	v9 =	vcombine.low v3, v4;
	[tilespmem:s17+$0x420 ss:$0x21] =	vst.msk $0xffff, v14  }
0x47: {  	s18 =	simm.s32 $0x4;
	v8 =	vperm.xlane.i2c.b16 v11;
	[tilespmem:s17+$0x631 ss:$0x21] =	vst.msk $0xffff, v1;
	v1 =	vcombine.high v3, v4;
	v4 =	vld [tilespmem:s20+$0x0]  }
0x48: {  	s19 =	simm.s32 $0x2;
	s22 =	sand.u32 $0x1C, s18;
	v10 =	vcombine.high v10, v13;
	v3 =	vld [tilespmem:s20+$0x10];
	[tilespmem:s17+$0x210 ss:$0x21] =	vst.msk $0xffff, v9;
	v9 =	vperm.xlane.i2c.b16 v2  }
0x49: {  	s21 =	sand.u32 $0x20, s18;
	s22 =	sshrl.u32 s22, $0x1;
	v11 =	vcombine.low v5, v0;
	v2 =	vld [tilespmem:s20+$0xFFFFFFC0];
	s20 =	sadd.s32 $0x80, s20;
	[tilespmem:s17+$0x211 ss:$0x21] =	vst.msk $0xffff, v1;
	v1 =	vperm.xlane.i2c.b16 v12  }
.LBB1_3:
0x4a: {  	v12 =	vld [tilespmem:s20+$0x20];
	s22 =	sadd.s32 s22, s16;
	s21 =	sshrl.u32 s21, $0x1;
	v13 =	vperm.xlane.i2c.b16 v7;
	v7 =	vcombine.low v9, v8;
	[tilespmem:s17+$0x421 ss:$0x21] =	vst.msk $0xffff, v10  }
0x4b: {  	s19 =	sadd.s32 $0x2, s19;
	v14 =	vld [tilespmem:s20+$0x30];
	s21 =	sadd.s32 s21, s22;
	v10 =	vperm.xlane.i2c.b16 v6;
	v6 =	vcombine.high v9, v8;
	[tilespmem:s17+$0x0 ss:$0x21] =	vst.msk $0xffff, v11  }
0x4c: {  	p1 =	slt.u32 s19, $0x1E;
	v11 =	vld [tilespmem:s20+$0xFFFFFFD0];
	v8 =	vperm.xlane.i2c.b16 v4;
	[tilespmem:s21+$0x630 ss:$0x21] =	vst.msk $0xffff, v7;
	v4 =	vcombine.high v5, v0;
	v0 =	vmov v1  }
.Ltmp3:
0x4d: {  	v7 =	vld [tilespmem:s20+$0xFFFFFFE0];
	v1 =	vcombine.low v13, v10;
	v3 =	vperm.xlane.i2c.b16 v3;
	[tilespmem:s21+$0x631 ss:$0x21] =	vst.msk $0xffff, v6;
	(pc) =	sbr.rel @p1 .LBB1_3-.Ltmp3, $4  }
0x4e: {  	v6 =	vld [tilespmem:s20+$0xFFFFFFF0];
	v5 =	vperm.xlane.i2c.b16 v2;
	v2 =	vcombine.high v13, v10;
	[tilespmem:s17+$0x1 ss:$0x21] =	vst.msk $0xffff, v4;
	s17 =	smov.u32 s21  }
0x4f: {  	s18 =	sadd.s32 $0x4, s18;
	v4 =	vld [tilespmem:s20+$0x0];
	[tilespmem:s17+$0x210 ss:$0x21] =	vst.msk $0xffff, v1;
	v13 =	vcombine.low v8, v3;
	v10 =	vcombine.high v8, v3  }
0x50: {  	s22 =	sand.u32 $0x1C, s18;
	v9 =	vperm.xlane.i2c.b16 v12;
	v3 =	vld [tilespmem:s20+$0x10];
	v8 =	vperm.xlane.i2c.b16 v14;
	[tilespmem:s17+$0x211 ss:$0x21] =	vst.msk $0xffff, v2  }
0x51: {  	s22 =	sshrl.u32 s22, $0x1;
	s21 =	sand.u32 $0x20, s18;
	v2 =	vld [tilespmem:s20+$0xFFFFFFC0];
	v1 =	vperm.xlane.i2c.b16 v11;
	s20 =	sadd.s32 $0x80, s20;
	v11 =	vcombine.low v5, v0;
	[tilespmem:s17+$0x420 ss:$0x21] =	vst.msk $0xffff, v13  }
0x52: {  	s18 =	sadd.s32 s22, s16;
	s19 =	sshll.u32 s9, $0x7;
	s20 =	sshll.u32 s10, $0x3  }
0x53: {  	s21 =	sshrl.u32 s21, $0x1;
	s24 =	sshll.u32 s10, $0x1;
	p1 =	sgt.s32 s9, $0xF41C0  }
0x54: {  	s22 =	smov.u32 s9;
	s26 =	sshra.s32 s9, $0x1F;
	s23 =	sand.u32 $0xFFFFFC00, s19  }
0x55: {  	s20 =	sand.u32 $0xFFFFFC00, s20;
	s19 =	sand.u32 $0x300, s19;
	s25 =	sand.u32 $0x80, s24  }
0x56: {  	s18 =	sadd.s32 s21, s18;
	s22 =	simm.s32 @!p1 $0xF41C0;
	p1 =	sgt.s32 s10, $0x60  }
0x57: {  	s21 =	smov.u32 s10;
	s20 =	sadd.s32 s20, s23;
	s23 =	sshra.s32 s10, $0x1F  }
0x58: {  	s21 =	simm.s32 @!p1 $0x60;
	s19 =	sor.u32 s19, s20;
	s20 =	sand.u32 s26, s9  }
0x59: {  	v7 =	vperm.xlane.i2c.b16 v7;
	[tilespmem:s17+$0x421 ss:$0x21] =	vst.msk $0xffff, v10;
	v0 =	vcombine.high v5, v0;
	s23 =	sand.u32 s23, s10;
	s19 =	sor.u32 s25, s19;
	s20 =	ssub.s32 s22, s20  }
0x5a: {  	v57 =	vcombine.low v9, v8;
	v6 =	vperm.xlane.i2c.b16 v6;
	[tilespmem:s17+$0x0 ss:$0x21] =	vst.msk $0xffff, v11;
	s21 =	ssub.s32 s21, s23;
	s19 =	sshrl.u32 s19, $0x7;
	s22 =	sadd.s32 $0xFFF0BE40, s20  }
0x5b: {  	v58 =	vcombine.high v9, v8;
	v4 =	vperm.xlane.i2c.b16 v4;
	[tilespmem:s17+$0x1 ss:$0x21] =	vst.msk $0xffff, v0;
	s23 =	sadd.s32 $0xFFFFFFA0, s21;
	s20 =	ssub.s32 $0xF4240, s20;
	s21 =	ssub.s32 $0x80, s21  }
0x5c: {  	[tilespmem:s18+$0x630 ss:$0x21] =	vst.msk $0xffff, v57;
	v59 =	vcombine.low v7, v6;
	v3 =	vperm.xlane.i2c.b16 v3;
	s27 =	smulhi.u32 $0x218DEF5, s19;
	p1 =	sgt.s32 s22, $0x7F;
	p2 =	sgt.s32 s23, $0x1F  }
0x5d: {  	[tilespmem:s18+$0x631 ss:$0x21] =	vst.msk $0xffff, v58;
	v60 =	vcombine.high v7, v6;
	s20 =	simm.s32 @p1 $0x0;
	s21 =	simm.s32 @p2 $0x0  }
0x5e: {  	v2 =	vperm.xlane.i2c.b16 v2;
	[tilespmem:s18+$0x210 ss:$0x21] =	vst.msk $0xffff, v59;
	v61 =	vcombine.low v4, v3;
	s17 =	sshrl.u32 s27, $0xD;
	s20 =	smul.u32 s21, s20  }
0x5f: {  	v3 =	vcombine.high v4, v3;
	[tilespmem:s18+$0x211 ss:$0x21] =	vst.msk $0xffff, v60;
	s17 =	smul.u32 $0xF4240, s17  }
.Ltmp4:
0x60: {  	s28 =	sshrl.u32 s10, $0x3;
	s29 =	sand.u32 $0x7, s10;
	v62 =	vcombine.low v2, v1;
	[tilespmem:s18+$0x420 ss:$0x21] =	vst.msk $0xffff, v61;
	(pc) =	sbr.rel .LBB1_5-.Ltmp4, $4  }
0x61: {  	v63 =	vcombine.high v2, v1;
	[tilespmem:s18+$0x421 ss:$0x21] =	vst.msk $0xffff, v3;
	s21 =	sshll.u32 s29, $0x12;
	s17 =	ssub.s32 s19, s17;
	s19 =	sand.u32 $0x7, s28  }
0x62: {  	[tilespmem:s18+$0x0 ss:$0x21] =	vst.msk $0xffff, v62;
	s20 =	sshrl.u32 s20, $0x1;
	s17 =	sshll.u32 s17, $0x3;
	s19 =	sadd.s32 s5, s19  }
0x63: {  	[tilespmem:s18+$0x1 ss:$0x21] =	vst.msk $0xffff, v63;
	s31 =	sor.u32 $0x20, s21;
	s30 =	sand.u32 $0x3FFFFFFF, s20;
	s17 =	sadd.s32 s17, s19  }
0x64: {  	[hbm4b:s17+s31] =	stream.strided.scatter [tilespmem:s16], [sflag:$0x2], s30, s8, s31, $0x10;
	[tilespmem:$0x2080] =	vst v63  }
.LBB1_6:
0x65: {  	_ =	sfence.sel $0x180000  }
0x66: {  	s2 =	simm.s32 $0x1;
	[bflag:$0x0] =	sbarrier.arrive $0xFFFF  }
0x67: {  	s31 =	simm.s32 $0x2;
	[sflag:s2] =	ssyncpa.u1 $0x1  }
0x68: {  	[sflag:s31] =	ssyncpa.u1 $0x1  }
0x69: {  	p0 =	sne.s32 s1, $0x0;
	_ =	strace $0x9000004A  }
0x6a: {  	s0 =	sadd.s32 @!p0 $0x100000, s0;
	[bflag:$0x2] =	sbarrier.arrive $0xFFFF  }
0x6b: {  	[sflag:s0] =	ssyncadd.tile.s32 @!p0 $0x1;
	_ =	shalt  }
.Lfunc_end1:
_tile_overlayer_lowered:
.L_overlay_start_2:
0x6c: {  	(tag) =	ssettag $0x2  }
0x6d: {  	s0 =	rddreg [dreg:$0x0];
	s2 =	stileid.u32  }
0x6e: {  	s1 =	rddreg [dreg:$0x1];
	p0 =	sne.s32 s2, $0x0  }
0x6f: {  	s3 =	rddreg [dreg:$0x2];
	[bflag:$0x3] =	sbarrier.arrive $0xFFFF;
	s2 =	simm.s32 @!p0 $0x1C01  }
0x70: {  	[timem:s3], [sflag:s2] =	dma.local @!p0 [hbm:s0], s1  }
0x71: {  	s0 =	simm.s32 @!p0 $0x1  }
0x72: {  	_ =	swait.ge @!p0 [sflag:s0], s1  }
0x73: {  	s1 =	ssub.s32 @!p0 $0x0, s1;
	[sflag:s0] =	ssyncset.done @!p0 $0x0  }
0x74: {  	[sflag:s0] =	ssyncadd.s32 @!p0 s1  }
0x75: {  	[bflag:$0x3] =	sbarrier.arrive $0xFFFF  }
0x76: {  	_ =	shalt  }

// kernel: sparse-core-data-format-call.2.cloned.1.call-start
scs
called_computation.2_lowered:
.L_overlay_start_0:
0x0: {  	s2 =	sld [smem:$0x3FD9]  }
0x1: {  	s3 =	sld [smem:$0x3FFE];
	_ =	sdelay $0x1  }
0x2: {  	s1 =	srdreg.scid  }
0x3: {  	s0 =	sand.u32 $0x1, s1  }
0x4: {  	s18 =	sshll.u32 s0, $0xA;
	s2 =	sadd.s32 s3, s2  }
0x5: {  	s2 =	sadd.s32 s2, s18  }
0x6: {  	[smem:$0x3FC2] =	sst s2  }
0x7: {  	_ = 	snop  }
0x8: {  	(tm) =	ssettm $0x1  }
0x9: {  	s19 =	sld [smem:$0x3FFB];
	_ =	sdelay $0x3  }
0xa: {  	_ =	strace s19  }
0xb: {  	s2 =	sld [smem:$0x3FFC];
	_ =	sdelay $0x3  }
0xc: {  	_ =	strace s2  }
0xd: {  	s2 =	sld [smem:$0x3FFD];
	_ =	sdelay $0x3  }
0xe: {  	_ =	strace s2  }
0xf: {  	_ =	strace $0x8FFFFFFF  }
0x10: {  	s20 =	sld [smem:$0x3FDB];
	_ =	sdelay $0x1  }
0x11: {  	s21 =	simm.s32 $_scs_section_size  }
0x12: {  	s4 =	simm.s32 $_size__tile_overlayer_lowered;
	s5 =	simm.s32 $_tile_overlayer_lowered  }
0x13: {  	s6 =	simm.s32 $0x1BFF;
	s22 =	sshll.u32 s5, $0x1;
	s3 =	sadd.s32 s21, s20  }
0x14: {  	s23 =	simm.s32 $0x0;
	s4 =	sshll.u32 s4, $0x1;
	s5 =	sadd.s32 s22, s3  }
0x15: {  	[timem:s23], [sflag:s6] =	dma.local [hbm:s5], s4  }
0x16: {  	_ =	swait.ge [sflag:s6], s4  }
0x17: {  	s4 =	ssub.s32 $0x0, s4;
	[sflag:s6] =	ssyncset.done $0x0  }
0x18: {  	[sflag:s6] =	ssyncadd.s32 s4;
	_ =	sdelay $0x1  }
0x19: {  	s24 =	simm.s32 $0x1B8B  }
0x1a: {  	_ =	swait.ge [sflag:s24], $0x1  }
0x1b: {  	[sflag:s24] =	ssyncset.done $0x0  }
0x1c: {  	[sflag:s24] =	ssyncadd.s32 $0xFFFFFFFF  }
0x1d: {  	s4 =	sld [smem:$0x0]  }
0x1e: {  	s5 =	sand.u32 $0xFFFFFFFE, s1  }
0x1f: {  	p0 =	sne.s32 s1, s5  }
0x20: {  	s5 =	sshll.u32 @p0 s5, $0xE  }
0x21: {  	s5 =	sadd.s32 @p0 $0x11B8D, s5;
	s6 =	sshll.u32 @p0 s4, $0x11  }
0x22: {  	s5 =	sor.u32 @p0 s6, s5  }
0x23: {  	[sflag:s5] =	ssyncadd.remote.s32 @p0 $0x1;
	_ =	sdelay $0x1  }
0x24: {  	s5 =	simm.s32 @p0 $0x1B8D  }
0x25: {  	_ =	swait.eq @p0 [sflag:s5], $0x1  }
0x26: {  	[sflag:s5] =	ssyncadd.s32 @p0 $0xFFFFFFFF  }
0x27: {  	s6 =	sshll.u32 @!p0 s1, $0xE  }
0x28: {  	s6 =	sor.u32 @!p0 $0x4000, s6;
	s5 =	simm.s32 @!p0 $0x1B8D  }
0x29: {  	s4 =	sshll.u32 @!p0 s4, $0x11;
	s6 =	sadd.s32 @!p0 $0x11B8D, s6;
	_ =	swait.eq @!p0 [sflag:s5], $0x1  }
0x2a: {  	s4 =	sor.u32 @!p0 s4, s6;
	[sflag:s5] =	ssyncadd.s32 @!p0 $0xFFFFFFFF  }
0x2b: {  	s26 =	simm.s32 $0x1B8E;
	s25 =	sld [smem:$0x3FFE];
	[sflag:s4] =	ssyncadd.remote.s32 @!p0 $0x1  }
0x2c: {  	s27 =	simm.s32 $execute0_lowered;
	[smem:$0x3FD2] =	sst s26  }
0x2d: {  	s5 =	sshll.u32 s27, $0x1;
	_ =	strace $0x8000004C;
	[dreg:$0x1] =	wrdreg $0xFFFFFFFF  }
0x2e: {  	s28 =	simm.s32 $_size_execute0_lowered;
	s3 =	sadd.s32 s3, s5;
	[dreg:$0x0] =	wrdreg $0x0  }
0x2f: {  	s5 =	sshll.u32 s28, $0x1;
	[dreg:$0x2] =	wrdreg s3  }
0x30: {  	[dreg:$0x3] =	wrdreg s5  }
0x31: {  	[dreg:$0x4] =	wrdreg $0xC0  }
0x32: {  	_ =	task [dreg:s23], $0x5FFFF  }
0x33: {  	[dreg:$0x1] =	wrdreg $0xFFFFFFFF  }
0x34: {  	[dreg:$0x0] =	wrdreg $0x60  }
0x35: {  	[dreg:$0x2] =	wrdreg s25  }
0x36: {  	[dreg:$0x3] =	wrdreg $0xA  }
0x37: {  	_ =	task.clear_ibuf [dreg:s23], $0x4FFFF;
	_ =	strace $0x9000004C  }
0x38: {  	s29 =	simm.s32 $0xA;
	_ =	strace $0x8000004E  }
0x39: {  	_ =	swait.ge [sflag:s29], $0x1  }
0x3a: {  	[sflag:s29] =	ssyncadd.s32 $0xFFFFFFFF  }
0x3b: {  	_ =	strace $0x9000004E  }
0x3c: {  	_ =	sfence  }
0x3d: {  	s30 =	sld [smem:$0x0];
	_ =	sdelay $0x2  }
0x3e: {  	s31 =	sshll.u32 s1, $0xD;
	s1 =	sshrl.u32 s1, $0x2  }
0x3f: {  	s4 =	sand.u32 $0x4000, s31;
	s1 =	sadd.s32 s1, s30  }
0x40: {  	s0 =	sor.u32 s4, s0;
	s1 =	sshll.u32 s1, $0x11  }
0x41: {  	s0 =	sor.u32 s1, s0  }
0x42: {  	s0 =	sadd.s32 $0x8F2B, s0  }
0x43: {  	[sflag:s0] =	ssyncadd.remote.s32 $0x1  }
0x44: {  	_ =	sfence.sel $0xFFFF  }
0x45: {  	[dreg:$0x0] =	wrdreg $0xFFFFFFFF;
	(pc) =	sbr.abs _section_cstart, $3  }
0x46: {  	[dreg:$0x1] =	wrdreg $0xFFFFFFFF  }
0x47: {  	_ =	task.clear_ibuf [dreg:s23], $0x2FFFF;
	_ =	strace $0x9FFFFFFF  }
0x48: {  	(tm) =	ssettm $0x7FFFFFFF  }
0x49: {  	_ =	shalt  }
tec
execute0_lowered:
.L_overlay_start_1:
0x0: {  	(tag) =	ssettag $0x1  }
0x1: {  	s0 =	srdreg.scid  }
0x2: {  	s5 =	rddreg [dreg:$0x0];
	s1 =	stileid.u32;
	s4 =	simm.s32 $0x1  }
0x3: {  	s6 =	simm.s32 $0x2;
	s8 =	simm.s32 $0x0;
	s2 =	sshll.u32 s0, $0x4  }
0x4: {  	s9 =	simm.s32 $0x0;
	s13 =	simm.s32 $0x0;
	s2 =	sand.u32 $0x10, s2  }
.Ltmp0:
0x5: {  	s10 =	simm.s32 $0x0;
	s3 =	sor.u32 s1, s2;
	(pc) =	sbr.rel .LBB1_1-.Ltmp0, $4  }
0x6: {  	s0 =	rddreg [dreg:$0x1];
	_ =	strace $0x8000004D;
	s3 =	sshll.u32 s3, $0x4  }
0x7: {  	s12 =	simm.s32 $0x0;
	[sflag:s4] =	ssyncpa.u1 $0x0;
	s7 =	ssub.s32 $0x3D00, s3  }
0x8: {  	s2 =	sadd.s32 $0x1E9C00, s5;
	[sflag:s6] =	ssyncpa.u1 $0x0;
	s6 =	sshrl.u32 s7, $0x9  }
0x9: {  	s5 =	sadd.s32 $0x1600, s5;
	s11 =	smov.u32 s3;
	s7 =	sadd.s32 $0x2, s6  }
.LBB1_7:
0xa: {  	s15 =	sshll.u32 s12, $0xF  }
0xb: {  	s15 =	sand.u32 $0x8000, s15  }
0xc: {  	s16 =	sshll.u32 s10, $0x7;
	s15 =	sshrl.u32 s15, $0x1  }
0xd: {  	s16 =	sadd.s32 s5, s16;
	s15 =	sor.u32 $0x8000, s15  }
0xe: {  	[hbm4b:s16+s8] =	stream.linear.scatter [tilespmem:s15], [sflag:$0x2], s14, $0x38;
	[tilespmem:$0x10000] =	vst v63  }
.LBB1_8:
0xf: {  	p0 =	slt.u32 s12, $0x2  }
0x10: {  	p1 =	sgt.s32 @!p0 s13, $0x3CF9  }
0x11: {  	s14 =	smov.u32 s13;
	s15 =	sshra.s32 @!p0 s13, $0x1F;
	p1 =	por !p1, p0  }
0x12: {  	s13 =	sand.u32 @!p0 s15, s13;
	s14 =	simm.s32 @p1 $0x3CF9  }
0x13: {  	s13 =	ssub.s32 @!p0 s14, s13  }
0x14: {  	s13 =	sadd.s32 @!p0 $0xFFFFC307, s13  }
0x15: {  	s14 =	sshll.u32 @!p0 s13, $0xC  }
0x16: {  	p1 =	sgt.s32 @!p0 s13, $0xF;
	s13 =	ssub.s32 @!p0 $0x10000, s14  }
0x17: {  	s15 =	sadd.s32 $0x200, s11;
	p1 =	por !p1, p0;
	s13 =	sshrl.u32 @!p0 s13, $0x2  }
0x18: {  	s13 =	simm.s32 @!p1 $0x0;
	p1 =	sgt.s32 s15, $0x3D08  }
0x19: {  	s15 =	smov.u32 @p1 s3;
	p1 =	sne.s32 s12, s7  }
.Ltmp1:
0x1a: {  	_ = 	snop;
	(pc) =	sbr.rel @!p1 .LBB1_9-.Ltmp1, $4  }
0x1b: {  	s14 =	simm.s32 @!p0 $0x2  }
0x1c: {  	s9 =	sadd.s32 $0x8000, s9;
	_ =	swait.ge @!p0 [sflag:s14], s13;
	s16 =	ssub.s32 @!p0 $0x0, s13  }
0x1d: {  	s13 =	smov.u32 s10;
	s12 =	sadd.s32 $0x1, s12;
	[sflag:s14] =	ssyncset.done @!p0 $0x0  }
0x1e: {  	s10 =	smov.u32 s11;
	s11 =	smov.u32 s15;
	[sflag:s14] =	ssyncadd.s32 @!p0 s16  }
.LBB1_1:
0x1f: {  	p0 =	sgt.u32 s12, s6  }
0x20: {  	p1 =	sgt.s32 @!p0 s11, $0x3CF9  }
0x21: {  	s14 =	smov.u32 s11;
	s15 =	sshra.s32 @!p0 s11, $0x1F;
	p1 =	por !p1, p0  }
0x22: {  	s15 =	sand.u32 @!p0 s15, s11;
	s14 =	simm.s32 @p1 $0x3CF9  }
0x23: {  	s14 =	ssub.s32 @!p0 s14, s15  }
0x24: {  	s14 =	sadd.s32 @!p0 $0xFFFFC307, s14  }
0x25: {  	s16 =	sshll.u32 @!p0 s11, $0x7;
	s17 =	simm.s32 @!p0 $0x0;
	s15 =	sshll.u32 @!p0 s14, $0xC  }
0x26: {  	p1 =	sgt.s32 @!p0 s14, $0xF;
	s14 =	ssub.s32 @!p0 $0x10000, s15;
	s15 =	sxor.u32 @!p0 $0xFFFFFFFF, s12  }
0x27: {  	p1 =	por !p1, p0;
	s14 =	sshrl.u32 @!p0 s14, $0x2;
	s15 =	sshll.u32 @!p0 s15, $0xE  }
0x28: {  	s16 =	sadd.s32 @!p0 s2, s16;
	s14 =	simm.s32 @!p1 $0x0;
	s15 =	sand.u32 @!p0 $0x4000, s15  }
0x29: {  	[tilespmem:s15], [sflag:$0x1] =	stream.linear.gather @!p0 [hbm4b:s16+s17], s14, $0x38;
	[tilespmem:$0x10000] =	vst v63  }
0x2a: {  	p0 =	seq.s32 s12, $0x0  }
0x2b: {  	p1 =	sge.u32 @!p0 s12, s7  }
0x2c: {  	p0 =	por p0, p1  }
.Ltmp2:
0x2d: {  	_ = 	snop;
	(pc) =	sbr.rel @p0 .LBB1_8-.Ltmp2, $1  }
0x2e: {  	_ =	sdelay $0x3  }
0x2f: {  	p0 =	sgt.s32 s10, $0x3CF9;
	s14 =	smov.u32 s10;
	s15 =	sshra.s32 s10, $0x1F  }
0x30: {  	s14 =	simm.s32 @!p0 $0x3CF9;
	s15 =	sand.u32 s15, s10  }
0x31: {  	s14 =	ssub.s32 s14, s15  }
0x32: {  	s16 =	sadd.s32 $0x10, s10;
	s14 =	sadd.s32 $0xFFFFC307, s14  }
0x33: {  	p1 =	slt.s32 s16, $0x3D09;
	s30 =	sshll.u32 s14, $0xC  }
0x34: {  	s16 =	simm.s32 @!p1 $0x3D09;
	s15 =	ssub.s32 $0x10000, s30  }
0x35: {  	p0 =	sgt.s32 s14, $0xF;
	s14 =	sshrl.u32 s15, $0x2;
	s15 =	ssub.s32 s16, s10  }
0x36: {  	s14 =	simm.s32 @p0 $0x0;
	p0 =	slt.s32 s15, $0x1  }
.Ltmp3:
0x37: {  	_ = 	snop;
	(pc) =	sbr.rel @p0 .LBB1_7-.Ltmp3, $4  }
0x38: {  	_ = 	snop  }
0x39: {  	_ =	swait.ge [sflag:s4], s14  }
0x3a: {  	s31 =	ssub.s32 $0x0, s14;
	[sflag:s4] =	ssyncset.done $0x0  }
0x3b: {  	[sflag:s4] =	ssyncadd.s32 s31  }
0x3c: {  	s16 =	sshrl.u32 s9, $0x1  }
0x3d: {  	s17 =	sand.u32 $0x4000, s16  }
0x3e: {  	s18 =	simm.s32 $0x0;
	s16 =	sor.u32 $0x200, s17;
	s17 =	sor.u32 $0x8080, s17  }
.LBB1_4:
0x3f: {  	v0 =	vld [tilespmem:s16+$0xFFFFFE70]  }
0x40: {  	v1 =	vld [tilespmem:s16+$0x70]  }
0x41: {  	v2 =	vld [tilespmem:s16+$0x0]  }
0x42: {  	v3 =	vld [tilespmem:s16+$0xFFFFFE10]  }
0x43: {  	v4 =	vld [tilespmem:s16+$0x10]  }
0x44: {  	v5 =	vld [tilespmem:s16+$0xFFFFFE20]  }
0x45: {  	v7 =	vld [tilespmem:s16+$0x20]  }
0x46: {  	v11 =	vld [tilespmem:s16+$0x30];
	v6 =	vunpack.i.l.s16.s32 v0;
	v8 =	vunpack.i.u.s16.s32 v0;
	v9 =	vunpack.i.u.s16.s32 v1  }
0x47: {  	v10 =	vunpack.i.l.s16.s32 v1;
	v0 =	vunpack.i.u.s16.s32 v2;
	v1 =	vunpack.i.l.s16.s32 v2;
	v2 =	vld [tilespmem:s16+$0xFFFFFE30]  }
0x48: {  	v8 =	vpack.i.b32.b16 v9, v8;
	v9 =	vunpack.i.u.s16.s32 v3;
	v3 =	vunpack.i.l.s16.s32 v3  }
0x49: {  	v12 =	vld [tilespmem:s16+$0xFFFFFE40];
	v6 =	vpack.i.b32.b16 v10, v6;
	[tilespmem:s17+$0x70] =	vst v8;
	v8 =	vunpack.i.u.s16.s32 v4;
	v4 =	vunpack.i.l.s16.s32 v4  }
0x4a: {  	v13 =	vld [tilespmem:s16+$0x40];
	v10 =	vunpack.i.u.s16.s32 v5;
	v5 =	vunpack.i.l.s16.s32 v5;
	[tilespmem:s17+$0xFFFFFFF0] =	vst v6;
	v3 =	vpack.i.b32.b16 v4, v3  }
0x4b: {  	v6 =	vunpack.i.l.s16.s32 v7;
	v4 =	vld [tilespmem:s16+$0xFFFFFE50];
	[tilespmem:s17+$0xFFFFFF90] =	vst v3;
	v3 =	vpack.i.b32.b16 v8, v9;
	v8 =	vunpack.i.u.s16.s32 v7  }
0x4c: {  	v7 =	vunpack.i.l.s16.s32 v11;
	[tilespmem:s17+$0x10] =	vst v3;
	v3 =	vpack.i.b32.b16 v6, v5;
	v9 =	vunpack.i.u.s16.s32 v2;
	v6 =	vld [tilespmem:s16+$0x50]  }
0x4d: {  	v5 =	vunpack.i.l.s16.s32 v2;
	v2 =	vld [tilespmem:s16+$0xFFFFFE60];
	[tilespmem:s17+$0xFFFFFFA0] =	vst v3;
	v3 =	vpack.i.b32.b16 v8, v10;
	v10 =	vunpack.i.u.s16.s32 v11  }
0x4e: {  	s21 =	simm.s32 $0x0;
	v11 =	vpack.i.b32.b16 v7, v5;
	v7 =	vunpack.i.u.s16.s32 v12;
	v8 =	vunpack.i.l.s16.s32 v12;
	[tilespmem:s17+$0x20] =	vst v3;
	v3 =	vld [tilespmem:s16+$0x60]  }
0x4f: {  	s22 =	sadd.s32 $0x80, s16;
	s20 =	smov.u32 s17;
	s19 =	smov.u32 s17;
	v5 =	vld [tilespmem:s16+$0xFFFFFE00];
	[tilespmem:s17+$0xFFFFFFB0] =	vst v11;
	v10 =	vpack.i.b32.b16 v10, v9;
	v9 =	vunpack.i.u.s16.s32 v13;
	v11 =	vunpack.i.l.s16.s32 v13  }
.LBB1_5:
0x50: {  	v12 =	vld [tilespmem:s22+$0xFFFFFE70];
	[tilespmem:s20+$0x30] =	vst v10;
	v8 =	vpack.i.b32.b16 v11, v8;
	v10 =	vunpack.i.u.s16.s32 v4;
	v4 =	vunpack.i.l.s16.s32 v4  }
0x51: {  	s21 =	sadd.s32 $0x2, s21;
	v7 =	vpack.i.b32.b16 v9, v7;
	v11 =	vld [tilespmem:s22+$0x70];
	[tilespmem:s20+$0xFFFFFFC0] =	vst v8;
	v8 =	vunpack.i.u.s16.s32 v6;
	v6 =	vunpack.i.l.s16.s32 v6  }
0x52: {  	p0 =	slt.u32 s21, $0x6;
	v9 =	vld [tilespmem:s22+$0x0];
	[tilespmem:s20+$0x40] =	vst v7;
	v4 =	vpack.i.b32.b16 v6, v4;
	v6 =	vunpack.i.u.s16.s32 v2;
	v2 =	vunpack.i.l.s16.s32 v2  }
0x53: {  	v7 =	vld [tilespmem:s22+$0xFFFFFE10];
	[tilespmem:s20+$0xFFFFFFD0] =	vst v4;
	v4 =	vpack.i.b32.b16 v8, v10;
	v8 =	vunpack.i.u.s16.s32 v3;
	v3 =	vunpack.i.l.s16.s32 v3  }
0x54: {  	v10 =	vld [tilespmem:s22+$0x10];
	v13 =	vunpack.i.u.s16.s32 v5;
	v5 =	vunpack.i.l.s16.s32 v5;
	[tilespmem:s20+$0x50] =	vst v4;
	v2 =	vpack.i.b32.b16 v3, v2  }
0x55: {  	v3 =	vld [tilespmem:s22+$0xFFFFFE20];
	v4 =	vunpack.i.l.s16.s32 v12;
	v1 =	vpack.i.b32.b16 v1, v5;
	v5 =	vpack.i.b32.b16 v0, v13;
	[tilespmem:s20+$0xFFFFFFE0] =	vst v2  }
0x56: {  	v12 =	vunpack.i.u.s16.s32 v12;
	v2 =	vld [tilespmem:s22+$0x20];
	v13 =	vunpack.i.u.s16.s32 v11;
	v11 =	vunpack.i.l.s16.s32 v11;
	[tilespmem:s20+$0xFFFFFF80] =	vst v1  }
0x57: {  	s20 =	sadd.s32 $0x100, s20;
	v0 =	vunpack.i.u.s16.s32 v9;
	v1 =	vunpack.i.l.s16.s32 v9;
	v9 =	vld [tilespmem:s22+$0xFFFFFE30];
	v12 =	vpack.i.b32.b16 v13, v12;
	[tilespmem:s19+$0x0] =	vst v5  }
0x58: {  	v6 =	vpack.i.b32.b16 v8, v6;
	v5 =	vunpack.i.u.s16.s32 v7;
	v7 =	vunpack.i.l.s16.s32 v7;
	v13 =	vld [tilespmem:s22+$0x30];
	[tilespmem:s20+$0x70] =	vst v12  }
0x59: {  	v4 =	vpack.i.b32.b16 v11, v4;
	v8 =	vunpack.i.u.s16.s32 v10;
	v10 =	vunpack.i.l.s16.s32 v10;
	v12 =	vld [tilespmem:s22+$0xFFFFFE40];
	[tilespmem:s19+$0x60] =	vst v6;
	s19 =	smov.u32 s20  }
0x5a: {  	v6 =	vpack.i.b32.b16 v10, v7;
	v7 =	vunpack.i.u.s16.s32 v3;
	v3 =	vunpack.i.l.s16.s32 v3;
	v11 =	vld [tilespmem:s22+$0x40];
	[tilespmem:s20+$0xFFFFFFF0] =	vst v4  }
.Ltmp4:
0x5b: {  	v5 =	vpack.i.b32.b16 v8, v5;
	[tilespmem:s20+$0xFFFFFF90] =	vst v6;
	v8 =	vunpack.i.u.s16.s32 v2;
	v2 =	vunpack.i.l.s16.s32 v2;
	v4 =	vld [tilespmem:s22+$0xFFFFFE50];
	(pc) =	sbr.rel @p0 .LBB1_5-.Ltmp4, $4  }
0x5c: {  	[tilespmem:s20+$0x10] =	vst v5;
	v2 =	vpack.i.b32.b16 v2, v3;
	v10 =	vunpack.i.u.s16.s32 v9;
	v3 =	vunpack.i.l.s16.s32 v9;
	v6 =	vld [tilespmem:s22+$0x50]  }
0x5d: {  	v5 =	vpack.i.b32.b16 v8, v7;
	[tilespmem:s20+$0xFFFFFFA0] =	vst v2;
	v9 =	vunpack.i.u.s16.s32 v13;
	v7 =	vunpack.i.l.s16.s32 v13;
	v2 =	vld [tilespmem:s22+$0xFFFFFE60]  }
0x5e: {  	[tilespmem:s20+$0x20] =	vst v5;
	v13 =	vpack.i.b32.b16 v7, v3;
	v7 =	vunpack.i.u.s16.s32 v12;
	v8 =	vunpack.i.l.s16.s32 v12;
	v3 =	vld [tilespmem:s22+$0x60]  }
0x5f: {  	v10 =	vpack.i.b32.b16 v9, v10;
	v5 =	vld [tilespmem:s22+$0xFFFFFE00];
	[tilespmem:s20+$0xFFFFFFB0] =	vst v13;
	v9 =	vunpack.i.u.s16.s32 v11;
	v11 =	vunpack.i.l.s16.s32 v11;
	s22 =	sadd.s32 $0x80, s22  }
0x60: {  	[tilespmem:s20+$0x30] =	vst v10;
	v8 =	vpack.i.b32.b16 v11, v8  }
0x61: {  	v51 =	vunpack.i.l.s16.s32 v4;
	v7 =	vpack.i.b32.b16 v9, v7;
	[tilespmem:s20+$0xFFFFFFC0] =	vst v8;
	v52 =	vunpack.i.l.s16.s32 v6  }
0x62: {  	v53 =	vunpack.i.u.s16.s32 v4;
	s18 =	sadd.s32 $0x1, s18;
	v54 =	vunpack.i.u.s16.s32 v6;
	[tilespmem:s20+$0x40] =	vst v7;
	v55 =	vpack.i.b32.b16 v52, v51  }
0x63: {  	p0 =	sne.s32 s18, s15;
	v56 =	vunpack.i.l.s16.s32 v2;
	v4 =	vpack.i.b32.b16 v54, v53;
	[tilespmem:s20+$0xFFFFFFD0] =	vst v55;
	v57 =	vunpack.i.l.s16.s32 v3  }
.Ltmp5:
0x64: {  	[tilespmem:s20+$0x50] =	vst v4;
	v58 =	vunpack.i.l.s16.s32 v5;
	v59 =	vpack.i.b32.b16 v57, v56;
	(pc) =	sbr.rel @p0 .LBB1_4-.Ltmp5, $4  }
.Ltmp6:
0x65: {  	v61 =	vunpack.i.u.s16.s32 v2;
	v62 =	vunpack.i.u.s16.s32 v3;
	v1 =	vpack.i.b32.b16 v1, v58;
	[tilespmem:s20+$0xFFFFFFE0] =	vst v59;
	(pc) =	sbr.rel @!p0 .LBB1_7-.Ltmp6, $4  }
0x66: {  	v60 =	vunpack.i.u.s16.s32 v5;
	v63 =	vpack.i.b32.b16 v62, v61;
	[tilespmem:s20+$0xFFFFFF80] =	vst v1  }
0x67: {  	v0 =	vpack.i.b32.b16 v0, v60;
	[tilespmem:s19+$0x60] =	vst v63  }
0x68: {  	s16 =	sadd.s32 $0x400, s16;
	s17 =	sadd.s32 $0x400, s17;
	[tilespmem:s19+$0x0] =	vst v0  }
0x69: {  	_ = 	snop  }
.LBB1_9:
0x6a: {  	_ =	sfence.sel $0x180000  }
0x6b: {  	s2 =	simm.s32 $0x1;
	[bflag:$0x0] =	sbarrier.arrive $0xFFFF  }
0x6c: {  	s31 =	simm.s32 $0x2;
	[sflag:s2] =	ssyncpa.u1 $0x1  }
0x6d: {  	[sflag:s31] =	ssyncpa.u1 $0x1  }
0x6e: {  	p0 =	sne.s32 s1, $0x0;
	_ =	strace $0x9000004D  }
0x6f: {  	s0 =	sadd.s32 @!p0 $0x100000, s0;
	[bflag:$0x2] =	sbarrier.arrive $0xFFFF  }
0x70: {  	[sflag:s0] =	ssyncadd.tile.s32 @!p0 $0x1;
	_ =	shalt  }
.Lfunc_end1:
_tile_overlayer_lowered:
.L_overlay_start_2:
0x71: {  	(tag) =	ssettag $0x2  }
0x72: {  	s0 =	rddreg [dreg:$0x0];
	s2 =	stileid.u32  }
0x73: {  	s1 =	rddreg [dreg:$0x1];
	p0 =	sne.s32 s2, $0x0  }
0x74: {  	s3 =	rddreg [dreg:$0x2];
	[bflag:$0x3] =	sbarrier.arrive $0xFFFF;
	s2 =	simm.s32 @!p0 $0x1C01  }
0x75: {  	[timem:s3], [sflag:s2] =	dma.local @!p0 [hbm:s0], s1  }
0x76: {  	s0 =	simm.s32 @!p0 $0x1  }
0x77: {  	_ =	swait.ge @!p0 [sflag:s0], s1  }
0x78: {  	s1 =	ssub.s32 @!p0 $0x0, s1;
	[sflag:s0] =	ssyncset.done @!p0 $0x0  }
0x79: {  	[sflag:s0] =	ssyncadd.s32 @!p0 s1  }
0x7a: {  	[bflag:$0x3] =	sbarrier.arrive $0xFFFF  }
0x7b: {  	_ =	shalt  }

// kernel: sparse-core-data-format-call.3.cloned.1.call-start
scs
called_computation.3_lowered:
.L_overlay_start_0:
0x0: {  	s1 =	sld [smem:$0x3FD9]  }
0x1: {  	s2 =	sld [smem:$0x3FFE];
	_ =	sdelay $0x1  }
0x2: {  	s3 =	srdreg.scid  }
0x3: {  	s0 =	sand.u32 $0x1, s3  }
0x4: {  	s17 =	sshll.u32 s0, $0xA;
	s1 =	sadd.s32 s2, s1  }
0x5: {  	s1 =	sadd.s32 s1, s17  }
0x6: {  	[smem:$0x3FC2] =	sst s1  }
0x7: {  	_ = 	snop  }
0x8: {  	(tm) =	ssettm $0x1  }
0x9: {  	s18 =	sld [smem:$0x3FFB];
	_ =	sdelay $0x3  }
0xa: {  	_ =	strace s18  }
0xb: {  	s1 =	sld [smem:$0x3FFC];
	_ =	sdelay $0x3  }
0xc: {  	_ =	strace s1  }
0xd: {  	s1 =	sld [smem:$0x3FFD];
	_ =	sdelay $0x3  }
0xe: {  	_ =	strace s1  }
0xf: {  	_ =	strace $0x8FFFFFFF  }
0x10: {  	s19 =	sld [smem:$0x3FDB];
	_ =	sdelay $0x1  }
0x11: {  	s20 =	simm.s32 $_scs_section_size  }
0x12: {  	s4 =	simm.s32 $_size__tile_overlayer_lowered;
	s5 =	simm.s32 $_tile_overlayer_lowered  }
0x13: {  	s23 =	simm.s32 $0x1BFF;
	s22 =	sshll.u32 s5, $0x1;
	s1 =	sadd.s32 s20, s19  }
0x14: {  	s6 =	simm.s32 $0x0;
	s21 =	sshll.u32 s4, $0x1;
	s4 =	sadd.s32 s22, s1  }
0x15: {  	[timem:s6], [sflag:s23] =	dma.local [hbm:s4], s21  }
0x16: {  	_ =	swait.ge [sflag:s23], s21  }
0x17: {  	s2 =	ssub.s32 $0x0, s21;
	[sflag:s23] =	ssyncset.done $0x0  }
0x18: {  	[sflag:s23] =	ssyncadd.s32 s2;
	_ =	sdelay $0x1  }
0x19: {  	s24 =	simm.s32 $0x1B8B  }
0x1a: {  	_ =	swait.ge [sflag:s24], $0x1  }
0x1b: {  	[sflag:s24] =	ssyncset.done $0x0  }
0x1c: {  	s26 =	simm.s32 $0x1B8E;
	s25 =	sld [smem:$0x3FFE];
	[sflag:s24] =	ssyncadd.s32 $0xFFFFFFFF  }
0x1d: {  	s27 =	simm.s32 $execute0_lowered;
	[smem:$0x3FD2] =	sst s26  }
0x1e: {  	s4 =	sshll.u32 s27, $0x1;
	_ =	strace $0x80000046;
	[dreg:$0x1] =	wrdreg $0xFFFFFFFF  }
0x1f: {  	s28 =	simm.s32 $_size_execute0_lowered;
	s1 =	sadd.s32 s1, s4;
	[dreg:$0x0] =	wrdreg $0x0  }
0x20: {  	s4 =	sshll.u32 s28, $0x1;
	[dreg:$0x2] =	wrdreg s1  }
0x21: {  	[dreg:$0x3] =	wrdreg s4  }
0x22: {  	[dreg:$0x4] =	wrdreg $0xC0  }
0x23: {  	_ =	task [dreg:s6], $0x5FFFF  }
0x24: {  	[dreg:$0x1] =	wrdreg $0xFFFFFFFF  }
0x25: {  	[dreg:$0x0] =	wrdreg $0x60  }
0x26: {  	[dreg:$0x2] =	wrdreg s25  }
0x27: {  	[dreg:$0x3] =	wrdreg $0xA  }
0x28: {  	_ =	task.clear_ibuf [dreg:s6], $0x4FFFF;
	_ =	strace $0x90000046  }
0x29: {  	s29 =	simm.s32 $0xA;
	_ =	strace $0x80000048  }
0x2a: {  	_ =	swait.ge [sflag:s29], $0x1  }
0x2b: {  	[sflag:s29] =	ssyncadd.s32 $0xFFFFFFFF  }
0x2c: {  	_ =	strace $0x90000048  }
0x2d: {  	_ =	sfence  }
0x2e: {  	s30 =	sld [smem:$0x0];
	_ =	sdelay $0x2  }
0x2f: {  	s31 =	sshll.u32 s3, $0xD;
	s3 =	sshrl.u32 s3, $0x2  }
0x30: {  	s2 =	sand.u32 $0x4000, s31;
	s1 =	sadd.s32 s3, s30  }
0x31: {  	s0 =	sor.u32 s2, s0;
	s1 =	sshll.u32 s1, $0x11  }
0x32: {  	s0 =	sor.u32 s1, s0  }
0x33: {  	s0 =	sadd.s32 $0x8F2B, s0  }
0x34: {  	[sflag:s0] =	ssyncadd.remote.s32 $0x1  }
0x35: {  	_ =	sfence.sel $0xFFFF  }
0x36: {  	[dreg:$0x0] =	wrdreg $0xFFFFFFFF;
	(pc) =	sbr.abs _section_cstart, $3  }
0x37: {  	[dreg:$0x1] =	wrdreg $0xFFFFFFFF  }
0x38: {  	_ =	task.clear_ibuf [dreg:s6], $0x2FFFF;
	_ =	strace $0x9FFFFFFF  }
0x39: {  	(tm) =	ssettm $0x7FFFFFFF  }
tec
execute0_lowered:
.L_overlay_start_1:
0x0: {  	(tag) =	ssettag $0x1  }
0x1: {  	s0 =	srdreg.scid  }
0x2: {  	s5 =	rddreg [dreg:$0x0];
	s1 =	stileid.u32;
	s4 =	simm.s32 $0x1  }
0x3: {  	s6 =	simm.s32 $0x2;
	s15 =	simm.s32 $0x0;
	p0 =	por $0x0, $0x0  }
0x4: {  	s8 =	simm.s32 $0x80;
	s14 =	simm.s32 $0x0;
	s2 =	sshll.u32 s0, $0x4  }
0x5: {  	s9 =	simm.s32 $0x0;
	s10 =	simm.s32 $0x0;
	s2 =	sand.u32 $0x10, s2  }
.Ltmp0:
0x6: {  	s12 =	simm.s32 $0x0;
	s3 =	sor.u32 s1, s2;
	(pc) =	sbr.rel .LBB1_1-.Ltmp0, $4  }
0x7: {  	s0 =	rddreg [dreg:$0x1];
	_ =	strace $0x80000047;
	s3 =	sshll.u32 s3, $0x7  }
0x8: {  	s13 =	simm.s32 $0x0;
	[sflag:s4] =	ssyncpa.u1 $0x0;
	s7 =	ssub.s32 $0xF4200, s3  }
0x9: {  	s2 =	sadd.s32 $0x1600, s5;
	[sflag:s6] =	ssyncpa.u1 $0x0;
	s6 =	sshrl.u32 s7, $0xC  }
0xa: {  	s5 =	sadd.s32 $0x1E9C00, s5;
	s11 =	smov.u32 s3;
	s7 =	sadd.s32 $0x2, s6  }
.LBB1_5:
0xb: {  	p1 =	slt.u32 s13, $0x2  }
0xc: {  	s17 =	smov.u32 s15;
	p2 =	sgt.s32 @!p1 s15, $0xF41C0;
	s16 =	sshra.s32 @!p1 s15, $0x1F  }
0xd: {  	p3 =	sgt.s32 @!p1 s14, $0x60;
	s18 =	sshra.s32 @!p1 s14, $0x1F;
	p2 =	por !p2, p1  }
0xe: {  	s15 =	sand.u32 @!p1 s16, s15;
	p3 =	por !p3, p1;
	s16 =	smov.u32 s14  }
0xf: {  	s14 =	sand.u32 @!p1 s18, s14;
	s17 =	simm.s32 @p2 $0xF41C0;
	s16 =	simm.s32 @p3 $0x60  }
0x10: {  	s15 =	ssub.s32 @!p1 s17, s15;
	s14 =	ssub.s32 @!p1 s16, s14  }
0x11: {  	s18 =	smov.u32 s12;
	s16 =	sadd.s32 @!p1 $0xFFF0BE40, s15;
	s17 =	sadd.s32 @!p1 $0xFFFFFFA0, s14  }
0x12: {  	s15 =	ssub.s32 @!p1 $0xF4240, s15;
	p2 =	sgt.s32 @!p1 s16, $0x7F;
	p3 =	sgt.s32 @!p1 s17, $0x1F  }
0x13: {  	s14 =	ssub.s32 @!p1 $0x80, s14;
	p2 =	por !p2, p1;
	p3 =	por !p3, p1  }
0x14: {  	s16 =	sadd.s32 $0x1000, s11;
	s15 =	simm.s32 @!p2 $0x0;
	s14 =	simm.s32 @!p3 $0x0  }
0x15: {  	p2 =	sgt.s32 s16, $0xF423F;
	s14 =	smul.u32 @!p1 s14, s15;
	s15 =	sadd.s32 $0x20, s12  }
0x16: {  	s18 =	smov.u32 @p2 s15  }
0x17: {  	s16 =	smov.u32 @p2 s3;
	p2 =	sgt.s32 s18, $0x1F  }
0x18: {  	p0 =	por !p0, !p0;
	s18 =	simm.s32 @p2 $0x0;
	p2 =	sne.s32 s13, s7  }
.Ltmp1:
0x19: {  	s17 =	simm.s32 @!p1 $0x2;
	s14 =	sshrl.u32 @!p1 s14, $0x1;
	(pc) =	sbr.rel @!p2 .LBB1_6-.Ltmp1, $4  }
0x1a: {  	s15 =	smov.u32 s9;
	s9 =	smov.u32 s11;
	s14 =	sand.u32 @!p1 $0x3FFFFFFF, s14  }
0x1b: {  	s11 =	smov.u32 s16;
	s13 =	sadd.s32 $0x1, s13;
	_ =	swait.ge @!p1 [sflag:s17], s14  }
0x1c: {  	s19 =	ssub.s32 @!p1 $0x0, s14;
	s14 =	smov.u32 s10;
	[sflag:s17] =	ssyncset.done @!p1 $0x0  }
0x1d: {  	s10 =	smov.u32 s12;
	s12 =	smov.u32 s18;
	[sflag:s17] =	ssyncadd.s32 @!p1 s19  }
.LBB1_1:
0x1e: {  	p1 =	sgt.u32 s13, s6  }
0x1f: {  	s16 =	sshrl.u32 @!p1 s12, $0x3  }
0x20: {  	s17 =	sshll.u32 @!p1 s11, $0x3;
	s16 =	smul.u32 @!p1 $0x7A1400, s16  }
0x21: {  	s18 =	sshll.u32 @!p1 s12, $0x7;
	s17 =	sand.u32 @!p1 $0xFFFFFC00, s17  }
0x22: {  	s16 =	sadd.s32 @!p1 s16, s17;
	s17 =	sand.u32 @!p1 $0x300, s18;
	s18 =	sshll.u32 @!p1 s11, $0x1  }
0x23: {  	s16 =	sor.u32 @!p1 s17, s16;
	s17 =	sand.u32 @!p1 $0xFE, s18  }
0x24: {  	s18 =	sand.u32 @!p1 $0x1, s12;
	s16 =	sor.u32 @!p1 s17, s16  }
0x25: {  	s17 =	sor.u32 @!p1 s18, s16  }
0x26: {  	s18 =	smulhi.u32 @!p1 $0x218D6287, s17;
	_ =	sdelay $0x1  }
0x27: {  	s16 =	smulhi.u32 @!p1 $0x218D6287, s16;
	s18 =	sshrl.u32 @!p1 s18, $0x11  }
0x28: {  	s18 =	smul.u32 @!p1 $0xF4280, s18  }
0x29: {  	s16 =	sshrl.u32 @!p1 s16, $0x11  }
0x2a: {  	s16 =	sand.u32 @!p1 $0x1F, s16;
	s17 =	ssub.s32 @!p1 s17, s18  }
0x2b: {  	s16 =	smul.u32 @!p1 $0xF428, s16;
	s18 =	sshrl.u32 @!p1 s17, $0x4  }
0x2c: {  	s19 =	sxor.u32 @!p1 $0xFFFFFFFF, s13;
	s17 =	sshll.u32 @!p1 s17, $0x11;
	s18 =	sadd.s32 @!p1 s2, s18  }
0x2d: {  	s17 =	sand.u32 @!p1 $0x1C0000, s17;
	s16 =	sadd.s32 @!p1 s16, s18;
	s18 =	sshll.u32 @!p1 s19, $0xB  }
0x2e: {  	s17 =	sor.u32 @!p1 $0x200, s17;
	s19 =	simm.s32 @!p1 $0x3D0A00;
	s18 =	sand.u32 @!p1 $0x800, s18  }
0x2f: {  	[tilespmem:s18], [sflag:$0x1] =	stream.strided.gather @!p1 [hbm4b:s16+s17], $0x800, s19, s17, $0x38;
	[tilespmem:$0x2080] =	vst v63  }
0x30: {  	p1 =	seq.s32 s13, $0x0  }
0x31: {  	p2 =	sge.u32 @!p1 s13, s7  }
0x32: {  	p1 =	por p1, p2  }
.Ltmp2:
0x33: {  	_ = 	snop;
	(pc) =	sbr.rel @p1 .LBB1_5-.Ltmp2, $1  }
0x34: {  	_ =	sdelay $0x3  }
0x35: {  	s16 =	simm.s32 $0x1  }
0x36: {  	_ =	swait.ge [sflag:s4], $0x800;
	s16 =	simm.s32 @!p0 $0x0  }
0x37: {  	[sflag:s4] =	ssyncset.done $0x0;
	s16 =	sshll.u32 s16, $0xB  }
0x38: {  	[sflag:s4] =	ssyncadd.s32 $0xFFFFF800;
	s16 =	sor.u32 $0x40, s16  }
0x39: {  	v0 =	vld [tilespmem:s16+$0x20]  }
0x3a: {  	v1 =	vld [tilespmem:s16+$0x30]  }
0x3b: {  	v2 =	vld [tilespmem:s16+$0xFFFFFFD0]  }
0x3c: {  	v5 =	vld [tilespmem:s16+$0x0]  }
0x3d: {  	v6 =	vld [tilespmem:s16+$0x10]  }
0x3e: {  	s17 =	sand.u32 $0x1, s13;
	v3 =	vld [tilespmem:s16+$0xFFFFFFE0]  }
0x3f: {  	s17 =	smul.u32 $0x2100, s17;
	v4 =	vld [tilespmem:s16+$0xFFFFFFF0]  }
0x40: {  	s18 =	simm.s32 $0x0;
	v1 =	vperm.xlane.i2c.b16 v1  }
0x41: {  	s19 =	sand.u32 $0x1C, s18;
	s17 =	sshrl.u32 s17, $0x2;
	v8 =	vld [tilespmem:s16+$0xFFFFFFC0];
	s20 =	sadd.s32 $0x80, s16;
	v7 =	vperm.xlane.i2c.b16 v0;
	v0 =	vperm.xlane.i2c.b16 v2  }
0x42: {  	s30 =	sand.u32 $0x20, s18;
	s31 =	sshrl.u32 s19, $0x1;
	s16 =	sor.u32 $0x1000, s17;
	v11 =	vld [tilespmem:s20+$0x30];
	v10 =	vperm.xlane.i2c.b16 v5;
	v13 =	vperm.xlane.i2c.b16 v6  }
0x43: {  	s17 =	sshrl.u32 s30, $0x1;
	s18 =	sadd.s32 s31, s16;
	v2 =	vld [tilespmem:s20+$0x20];
	v3 =	vperm.xlane.i2c.b16 v3;
	v9 =	vcombine.low v7, v1  }
0x44: {  	v12 =	vld [tilespmem:s20+$0xFFFFFFD0];
	s17 =	sadd.s32 s17, s18;
	v4 =	vperm.xlane.i2c.b16 v4;
	v14 =	vcombine.low v10, v13  }
0x45: {  	v1 =	vcombine.high v7, v1;
	v7 =	vld [tilespmem:s20+$0xFFFFFFE0];
	[tilespmem:s17+$0x630 ss:$0x21] =	vst.msk $0xffff, v9  }
0x46: {  	v6 =	vld [tilespmem:s20+$0xFFFFFFF0];
	v5 =	vperm.xlane.i2c.b16 v8;
	v9 =	vcombine.low v3, v4;
	[tilespmem:s17+$0x420 ss:$0x21] =	vst.msk $0xffff, v14  }
0x47: {  	s18 =	simm.s32 $0x4;
	v8 =	vperm.xlane.i2c.b16 v11;
	[tilespmem:s17+$0x631 ss:$0x21] =	vst.msk $0xffff, v1;
	v1 =	vcombine.high v3, v4;
	v4 =	vld [tilespmem:s20+$0x0]  }
0x48: {  	s19 =	simm.s32 $0x2;
	s22 =	sand.u32 $0x1C, s18;
	v10 =	vcombine.high v10, v13;
	v3 =	vld [tilespmem:s20+$0x10];
	[tilespmem:s17+$0x210 ss:$0x21] =	vst.msk $0xffff, v9;
	v9 =	vperm.xlane.i2c.b16 v2  }
0x49: {  	s21 =	sand.u32 $0x20, s18;
	s22 =	sshrl.u32 s22, $0x1;
	v11 =	vcombine.low v5, v0;
	v2 =	vld [tilespmem:s20+$0xFFFFFFC0];
	s20 =	sadd.s32 $0x80, s20;
	[tilespmem:s17+$0x211 ss:$0x21] =	vst.msk $0xffff, v1;
	v1 =	vperm.xlane.i2c.b16 v12  }
.LBB1_3:
0x4a: {  	v12 =	vld [tilespmem:s20+$0x20];
	s22 =	sadd.s32 s22, s16;
	s21 =	sshrl.u32 s21, $0x1;
	v13 =	vperm.xlane.i2c.b16 v7;
	v7 =	vcombine.low v9, v8;
	[tilespmem:s17+$0x421 ss:$0x21] =	vst.msk $0xffff, v10  }
0x4b: {  	s19 =	sadd.s32 $0x2, s19;
	v14 =	vld [tilespmem:s20+$0x30];
	s21 =	sadd.s32 s21, s22;
	v10 =	vperm.xlane.i2c.b16 v6;
	v6 =	vcombine.high v9, v8;
	[tilespmem:s17+$0x0 ss:$0x21] =	vst.msk $0xffff, v11  }
0x4c: {  	p1 =	slt.u32 s19, $0x1E;
	v11 =	vld [tilespmem:s20+$0xFFFFFFD0];
	v8 =	vperm.xlane.i2c.b16 v4;
	[tilespmem:s21+$0x630 ss:$0x21] =	vst.msk $0xffff, v7;
	v4 =	vcombine.high v5, v0;
	v0 =	vmov v1  }
.Ltmp3:
0x4d: {  	v7 =	vld [tilespmem:s20+$0xFFFFFFE0];
	v1 =	vcombine.low v13, v10;
	v3 =	vperm.xlane.i2c.b16 v3;
	[tilespmem:s21+$0x631 ss:$0x21] =	vst.msk $0xffff, v6;
	(pc) =	sbr.rel @p1 .LBB1_3-.Ltmp3, $4  }
0x4e: {  	v6 =	vld [tilespmem:s20+$0xFFFFFFF0];
	v5 =	vperm.xlane.i2c.b16 v2;
	v2 =	vcombine.high v13, v10;
	[tilespmem:s17+$0x1 ss:$0x21] =	vst.msk $0xffff, v4;
	s17 =	smov.u32 s21  }
0x4f: {  	s18 =	sadd.s32 $0x4, s18;
	v4 =	vld [tilespmem:s20+$0x0];
	[tilespmem:s17+$0x210 ss:$0x21] =	vst.msk $0xffff, v1;
	v13 =	vcombine.low v8, v3;
	v10 =	vcombine.high v8, v3  }
0x50: {  	s22 =	sand.u32 $0x1C, s18;
	v9 =	vperm.xlane.i2c.b16 v12;
	v3 =	vld [tilespmem:s20+$0x10];
	v8 =	vperm.xlane.i2c.b16 v14;
	[tilespmem:s17+$0x211 ss:$0x21] =	vst.msk $0xffff, v2  }
0x51: {  	s22 =	sshrl.u32 s22, $0x1;
	s21 =	sand.u32 $0x20, s18;
	v2 =	vld [tilespmem:s20+$0xFFFFFFC0];
	v1 =	vperm.xlane.i2c.b16 v11;
	s20 =	sadd.s32 $0x80, s20;
	v11 =	vcombine.low v5, v0;
	[tilespmem:s17+$0x420 ss:$0x21] =	vst.msk $0xffff, v13  }
0x52: {  	s18 =	sadd.s32 s22, s16;
	s19 =	sshll.u32 s9, $0x7;
	s20 =	sshll.u32 s10, $0x3  }
0x53: {  	s21 =	sshrl.u32 s21, $0x1;
	s24 =	sshll.u32 s10, $0x1;
	p1 =	sgt.s32 s9, $0xF41C0  }
0x54: {  	s22 =	smov.u32 s9;
	s26 =	sshra.s32 s9, $0x1F;
	s23 =	sand.u32 $0xFFFFFC00, s19  }
0x55: {  	s20 =	sand.u32 $0xFFFFFC00, s20;
	s19 =	sand.u32 $0x300, s19;
	s25 =	sand.u32 $0x80, s24  }
0x56: {  	s18 =	sadd.s32 s21, s18;
	s22 =	simm.s32 @!p1 $0xF41C0;
	p1 =	sgt.s32 s10, $0x60  }
0x57: {  	s21 =	smov.u32 s10;
	s20 =	sadd.s32 s20, s23;
	s23 =	sshra.s32 s10, $0x1F  }
0x58: {  	s21 =	simm.s32 @!p1 $0x60;
	s19 =	sor.u32 s19, s20;
	s20 =	sand.u32 s26, s9  }
0x59: {  	v7 =	vperm.xlane.i2c.b16 v7;
	[tilespmem:s17+$0x421 ss:$0x21] =	vst.msk $0xffff, v10;
	v0 =	vcombine.high v5, v0;
	s23 =	sand.u32 s23, s10;
	s19 =	sor.u32 s25, s19;
	s20 =	ssub.s32 s22, s20  }
0x5a: {  	v57 =	vcombine.low v9, v8;
	v6 =	vperm.xlane.i2c.b16 v6;
	[tilespmem:s17+$0x0 ss:$0x21] =	vst.msk $0xffff, v11;
	s21 =	ssub.s32 s21, s23;
	s19 =	sshrl.u32 s19, $0x7;
	s22 =	sadd.s32 $0xFFF0BE40, s20  }
0x5b: {  	v58 =	vcombine.high v9, v8;
	v4 =	vperm.xlane.i2c.b16 v4;
	[tilespmem:s17+$0x1 ss:$0x21] =	vst.msk $0xffff, v0;
	s23 =	sadd.s32 $0xFFFFFFA0, s21;
	s20 =	ssub.s32 $0xF4240, s20;
	s21 =	ssub.s32 $0x80, s21  }
0x5c: {  	[tilespmem:s18+$0x630 ss:$0x21] =	vst.msk $0xffff, v57;
	v59 =	vcombine.low v7, v6;
	v3 =	vperm.xlane.i2c.b16 v3;
	s27 =	smulhi.u32 $0x218DEF5, s19;
	p1 =	sgt.s32 s22, $0x7F;
	p2 =	sgt.s32 s23, $0x1F  }
0x5d: {  	[tilespmem:s18+$0x631 ss:$0x21] =	vst.msk $0xffff, v58;
	v60 =	vcombine.high v7, v6;
	s20 =	simm.s32 @p1 $0x0;
	s21 =	simm.s32 @p2 $0x0  }
0x5e: {  	v2 =	vperm.xlane.i2c.b16 v2;
	[tilespmem:s18+$0x210 ss:$0x21] =	vst.msk $0xffff, v59;
	v61 =	vcombine.low v4, v3;
	s17 =	sshrl.u32 s27, $0xD;
	s20 =	smul.u32 s21, s20  }
0x5f: {  	v3 =	vcombine.high v4, v3;
	[tilespmem:s18+$0x211 ss:$0x21] =	vst.msk $0xffff, v60;
	s17 =	smul.u32 $0xF4240, s17  }
.Ltmp4:
0x60: {  	s28 =	sshrl.u32 s10, $0x3;
	s29 =	sand.u32 $0x7, s10;
	v62 =	vcombine.low v2, v1;
	[tilespmem:s18+$0x420 ss:$0x21] =	vst.msk $0xffff, v61;
	(pc) =	sbr.rel .LBB1_5-.Ltmp4, $4  }
0x61: {  	v63 =	vcombine.high v2, v1;
	[tilespmem:s18+$0x421 ss:$0x21] =	vst.msk $0xffff, v3;
	s21 =	sshll.u32 s29, $0x12;
	s17 =	ssub.s32 s19, s17;
	s19 =	sand.u32 $0x7, s28  }
0x62: {  	[tilespmem:s18+$0x0 ss:$0x21] =	vst.msk $0xffff, v62;
	s20 =	sshrl.u32 s20, $0x1;
	s17 =	sshll.u32 s17, $0x3;
	s19 =	sadd.s32 s5, s19  }
0x63: {  	[tilespmem:s18+$0x1 ss:$0x21] =	vst.msk $0xffff, v63;
	s31 =	sor.u32 $0x20, s21;
	s30 =	sand.u32 $0x3FFFFFFF, s20;
	s17 =	sadd.s32 s17, s19  }
0x64: {  	[hbm4b:s17+s31] =	stream.strided.scatter [tilespmem:s16], [sflag:$0x2], s30, s8, s31, $0x10;
	[tilespmem:$0x2080] =	vst v63  }
.LBB1_6:
0x65: {  	_ =	sfence.sel $0x180000  }
0x66: {  	s2 =	simm.s32 $0x1;
	[bflag:$0x0] =	sbarrier.arrive $0xFFFF  }
0x67: {  	s31 =	simm.s32 $0x2;
	[sflag:s2] =	ssyncpa.u1 $0x1  }
0x68: {  	[sflag:s31] =	ssyncpa.u1 $0x1  }
0x69: {  	p0 =	sne.s32 s1, $0x0;
	_ =	strace $0x90000047  }
0x6a: {  	s0 =	sadd.s32 @!p0 $0x100000, s0;
	[bflag:$0x2] =	sbarrier.arrive $0xFFFF  }
0x6b: {  	[sflag:s0] =	ssyncadd.tile.s32 @!p0 $0x1;
	_ =	shalt  }
.Lfunc_end1:
_tile_overlayer_lowered:
.L_overlay_start_2:
0x6c: {  	(tag) =	ssettag $0x2  }
0x6d: {  	s0 =	rddreg [dreg:$0x0];
	s2 =	stileid.u32  }
0x6e: {  	s1 =	rddreg [dreg:$0x1];
	p0 =	sne.s32 s2, $0x0  }
0x6f: {  	s3 =	rddreg [dreg:$0x2];
	[bflag:$0x3] =	sbarrier.arrive $0xFFFF;
	s2 =	simm.s32 @!p0 $0x1C01  }
0x70: {  	[timem:s3], [sflag:s2] =	dma.local @!p0 [hbm:s0], s1  }
0x71: {  	s0 =	simm.s32 @!p0 $0x1  }
0x72: {  	_ =	swait.ge @!p0 [sflag:s0], s1  }
0x73: {  	s1 =	ssub.s32 @!p0 $0x0, s1;
	[sflag:s0] =	ssyncset.done @!p0 $0x0  }
0x74: {  	[sflag:s0] =	ssyncadd.s32 @!p0 s1  }
0x75: {  	[bflag:$0x3] =	sbarrier.arrive $0xFFFF  }
0x76: {  	_ =	shalt  }

// kernel: sparse-core-data-format-call.cloned.1.call-start
scs
called_computation_lowered:
.L_overlay_start_0:
0x0: {  	s2 =	sld [smem:$0x3FD9]  }
0x1: {  	s3 =	sld [smem:$0x3FFE];
	_ =	sdelay $0x1  }
0x2: {  	s1 =	srdreg.scid  }
0x3: {  	s0 =	sand.u32 $0x1, s1  }
0x4: {  	s18 =	sshll.u32 s0, $0xA;
	s2 =	sadd.s32 s3, s2  }
0x5: {  	s2 =	sadd.s32 s2, s18  }
0x6: {  	[smem:$0x3FC2] =	sst s2  }
0x7: {  	_ = 	snop  }
0x8: {  	(tm) =	ssettm $0x1  }
0x9: {  	s19 =	sld [smem:$0x3FFB];
	_ =	sdelay $0x3  }
0xa: {  	_ =	strace s19  }
0xb: {  	s2 =	sld [smem:$0x3FFC];
	_ =	sdelay $0x3  }
0xc: {  	_ =	strace s2  }
0xd: {  	s2 =	sld [smem:$0x3FFD];
	_ =	sdelay $0x3  }
0xe: {  	_ =	strace s2  }
0xf: {  	_ =	strace $0x8FFFFFFF  }
0x10: {  	s20 =	sld [smem:$0x3FDB];
	_ =	sdelay $0x1  }
0x11: {  	s21 =	simm.s32 $_scs_section_size  }
0x12: {  	s4 =	simm.s32 $_size__tile_overlayer_lowered;
	s5 =	simm.s32 $_tile_overlayer_lowered  }
0x13: {  	s6 =	simm.s32 $0x1BFF;
	s22 =	sshll.u32 s5, $0x1;
	s3 =	sadd.s32 s21, s20  }
0x14: {  	s23 =	simm.s32 $0x0;
	s4 =	sshll.u32 s4, $0x1;
	s5 =	sadd.s32 s22, s3  }
0x15: {  	[timem:s23], [sflag:s6] =	dma.local [hbm:s5], s4  }
0x16: {  	_ =	swait.ge [sflag:s6], s4  }
0x17: {  	s4 =	ssub.s32 $0x0, s4;
	[sflag:s6] =	ssyncset.done $0x0  }
0x18: {  	[sflag:s6] =	ssyncadd.s32 s4;
	_ =	sdelay $0x1  }
0x19: {  	s24 =	simm.s32 $0x1B8B  }
0x1a: {  	_ =	swait.ge [sflag:s24], $0x1  }
0x1b: {  	[sflag:s24] =	ssyncset.done $0x0  }
0x1c: {  	[sflag:s24] =	ssyncadd.s32 $0xFFFFFFFF  }
0x1d: {  	s4 =	sld [smem:$0x0]  }
0x1e: {  	s5 =	sand.u32 $0xFFFFFFFE, s1  }
0x1f: {  	p0 =	sne.s32 s1, s5  }
0x20: {  	s5 =	sshll.u32 @p0 s5, $0xE  }
0x21: {  	s5 =	sadd.s32 @p0 $0x11B8D, s5;
	s6 =	sshll.u32 @p0 s4, $0x11  }
0x22: {  	s5 =	sor.u32 @p0 s6, s5  }
0x23: {  	[sflag:s5] =	ssyncadd.remote.s32 @p0 $0x1;
	_ =	sdelay $0x1  }
0x24: {  	s5 =	simm.s32 @p0 $0x1B8D  }
0x25: {  	_ =	swait.eq @p0 [sflag:s5], $0x1  }
0x26: {  	[sflag:s5] =	ssyncadd.s32 @p0 $0xFFFFFFFF  }
0x27: {  	s6 =	sshll.u32 @!p0 s1, $0xE  }
0x28: {  	s6 =	sor.u32 @!p0 $0x4000, s6;
	s5 =	simm.s32 @!p0 $0x1B8D  }
0x29: {  	s4 =	sshll.u32 @!p0 s4, $0x11;
	s6 =	sadd.s32 @!p0 $0x11B8D, s6;
	_ =	swait.eq @!p0 [sflag:s5], $0x1  }
0x2a: {  	s4 =	sor.u32 @!p0 s4, s6;
	[sflag:s5] =	ssyncadd.s32 @!p0 $0xFFFFFFFF  }
0x2b: {  	s26 =	simm.s32 $0x1B8E;
	s25 =	sld [smem:$0x3FFE];
	[sflag:s4] =	ssyncadd.remote.s32 @!p0 $0x1  }
0x2c: {  	s27 =	simm.s32 $execute0_lowered;
	[smem:$0x3FD2] =	sst s26  }
0x2d: {  	s5 =	sshll.u32 s27, $0x1;
	_ =	strace $0x8000004F;
	[dreg:$0x1] =	wrdreg $0xFFFFFFFF  }
0x2e: {  	s28 =	simm.s32 $_size_execute0_lowered;
	s3 =	sadd.s32 s3, s5;
	[dreg:$0x0] =	wrdreg $0x0  }
0x2f: {  	s5 =	sshll.u32 s28, $0x1;
	[dreg:$0x2] =	wrdreg s3  }
0x30: {  	[dreg:$0x3] =	wrdreg s5  }
0x31: {  	[dreg:$0x4] =	wrdreg $0xC0  }
0x32: {  	_ =	task [dreg:s23], $0x5FFFF  }
0x33: {  	[dreg:$0x1] =	wrdreg $0xFFFFFFFF  }
0x34: {  	[dreg:$0x0] =	wrdreg $0x60  }
0x35: {  	[dreg:$0x2] =	wrdreg s25  }
0x36: {  	[dreg:$0x3] =	wrdreg $0x9  }
0x37: {  	_ =	task.clear_ibuf [dreg:s23], $0x4FFFF;
	_ =	strace $0x9000004F  }
0x38: {  	s29 =	simm.s32 $0x9;
	_ =	strace $0x80000051  }
0x39: {  	_ =	swait.ge [sflag:s29], $0x1  }
0x3a: {  	[sflag:s29] =	ssyncadd.s32 $0xFFFFFFFF  }
0x3b: {  	_ =	strace $0x90000051  }
0x3c: {  	_ =	sfence  }
0x3d: {  	s30 =	sld [smem:$0x0];
	_ =	sdelay $0x2  }
0x3e: {  	s31 =	sshll.u32 s1, $0xD;
	s1 =	sshrl.u32 s1, $0x2  }
0x3f: {  	s4 =	sand.u32 $0x4000, s31;
	s1 =	sadd.s32 s1, s30  }
0x40: {  	s0 =	sor.u32 s4, s0;
	s1 =	sshll.u32 s1, $0x11  }
0x41: {  	s0 =	sor.u32 s1, s0  }
0x42: {  	s0 =	sadd.s32 $0x8F2B, s0  }
0x43: {  	[sflag:s0] =	ssyncadd.remote.s32 $0x1  }
0x44: {  	_ =	sfence.sel $0xFFFF  }
0x45: {  	[dreg:$0x0] =	wrdreg $0xFFFFFFFF;
	(pc) =	sbr.abs _section_cstart, $3  }
0x46: {  	[dreg:$0x1] =	wrdreg $0xFFFFFFFF  }
0x47: {  	_ =	task.clear_ibuf [dreg:s23], $0x2FFFF;
	_ =	strace $0x9FFFFFFF  }
0x48: {  	(tm) =	ssettm $0x7FFFFFFF  }
0x49: {  	_ =	shalt  }
tec
execute0_lowered:
.L_overlay_start_1:
0x0: {  	(tag) =	ssettag $0x1  }
0x1: {  	s0 =	srdreg.scid  }
0x2: {  	s5 =	rddreg [dreg:$0x0];
	s1 =	stileid.u32;
	s4 =	simm.s32 $0x1  }
0x3: {  	s6 =	simm.s32 $0x2;
	s8 =	simm.s32 $0x0;
	s2 =	sshll.u32 s0, $0x4  }
0x4: {  	s9 =	simm.s32 $0x0;
	s13 =	simm.s32 $0x0;
	s2 =	sand.u32 $0x10, s2  }
.Ltmp0:
0x5: {  	s10 =	simm.s32 $0x0;
	s3 =	sor.u32 s1, s2;
	(pc) =	sbr.rel .LBB1_1-.Ltmp0, $4  }
0x6: {  	s0 =	rddreg [dreg:$0x1];
	_ =	strace $0x80000050;
	s3 =	sshll.u32 s3, $0x4  }
0x7: {  	s12 =	simm.s32 $0x0;
	[sflag:s4] =	ssyncpa.u1 $0x0;
	s7 =	ssub.s32 $0x3D00, s3  }
0x8: {  	s2 =	sadd.s32 $0x5BA800, s5;
	[sflag:s6] =	ssyncpa.u1 $0x0;
	s6 =	sshrl.u32 s7, $0x9  }
0x9: {  	s5 =	sadd.s32 $0x3D2200, s5;
	s11 =	smov.u32 s3;
	s7 =	sadd.s32 $0x2, s6  }
.LBB1_7:
0xa: {  	s15 =	sshll.u32 s12, $0xF  }
0xb: {  	s15 =	sand.u32 $0x8000, s15  }
0xc: {  	s16 =	sshll.u32 s10, $0x7;
	s15 =	sshrl.u32 s15, $0x1  }
0xd: {  	s16 =	sadd.s32 s5, s16;
	s15 =	sor.u32 $0x8000, s15  }
0xe: {  	[hbm4b:s16+s8] =	stream.linear.scatter [tilespmem:s15], [sflag:$0x2], s14, $0x38;
	[tilespmem:$0x10000] =	vst v63  }
.LBB1_8:
0xf: {  	p0 =	slt.u32 s12, $0x2  }
0x10: {  	p1 =	sgt.s32 @!p0 s13, $0x3CF9  }
0x11: {  	s14 =	smov.u32 s13;
	s15 =	sshra.s32 @!p0 s13, $0x1F;
	p1 =	por !p1, p0  }
0x12: {  	s13 =	sand.u32 @!p0 s15, s13;
	s14 =	simm.s32 @p1 $0x3CF9  }
0x13: {  	s13 =	ssub.s32 @!p0 s14, s13  }
0x14: {  	s13 =	sadd.s32 @!p0 $0xFFFFC307, s13  }
0x15: {  	s14 =	sshll.u32 @!p0 s13, $0xC  }
0x16: {  	p1 =	sgt.s32 @!p0 s13, $0xF;
	s13 =	ssub.s32 @!p0 $0x10000, s14  }
0x17: {  	s15 =	sadd.s32 $0x200, s11;
	p1 =	por !p1, p0;
	s13 =	sshrl.u32 @!p0 s13, $0x2  }
0x18: {  	s13 =	simm.s32 @!p1 $0x0;
	p1 =	sgt.s32 s15, $0x3D08  }
0x19: {  	s15 =	smov.u32 @p1 s3;
	p1 =	sne.s32 s12, s7  }
.Ltmp1:
0x1a: {  	_ = 	snop;
	(pc) =	sbr.rel @!p1 .LBB1_9-.Ltmp1, $4  }
0x1b: {  	s14 =	simm.s32 @!p0 $0x2  }
0x1c: {  	s9 =	sadd.s32 $0x8000, s9;
	_ =	swait.ge @!p0 [sflag:s14], s13;
	s16 =	ssub.s32 @!p0 $0x0, s13  }
0x1d: {  	s13 =	smov.u32 s10;
	s12 =	sadd.s32 $0x1, s12;
	[sflag:s14] =	ssyncset.done @!p0 $0x0  }
0x1e: {  	s10 =	smov.u32 s11;
	s11 =	smov.u32 s15;
	[sflag:s14] =	ssyncadd.s32 @!p0 s16  }
.LBB1_1:
0x1f: {  	p0 =	sgt.u32 s12, s6  }
0x20: {  	p1 =	sgt.s32 @!p0 s11, $0x3CF9  }
0x21: {  	s14 =	smov.u32 s11;
	s15 =	sshra.s32 @!p0 s11, $0x1F;
	p1 =	por !p1, p0  }
0x22: {  	s15 =	sand.u32 @!p0 s15, s11;
	s14 =	simm.s32 @p1 $0x3CF9  }
0x23: {  	s14 =	ssub.s32 @!p0 s14, s15  }
0x24: {  	s14 =	sadd.s32 @!p0 $0xFFFFC307, s14  }
0x25: {  	s16 =	sshll.u32 @!p0 s11, $0x7;
	s17 =	simm.s32 @!p0 $0x0;
	s15 =	sshll.u32 @!p0 s14, $0xC  }
0x26: {  	p1 =	sgt.s32 @!p0 s14, $0xF;
	s14 =	ssub.s32 @!p0 $0x10000, s15;
	s15 =	sxor.u32 @!p0 $0xFFFFFFFF, s12  }
0x27: {  	p1 =	por !p1, p0;
	s14 =	sshrl.u32 @!p0 s14, $0x2;
	s15 =	sshll.u32 @!p0 s15, $0xE  }
0x28: {  	s16 =	sadd.s32 @!p0 s2, s16;
	s14 =	simm.s32 @!p1 $0x0;
	s15 =	sand.u32 @!p0 $0x4000, s15  }
0x29: {  	[tilespmem:s15], [sflag:$0x1] =	stream.linear.gather @!p0 [hbm4b:s16+s17], s14, $0x38;
	[tilespmem:$0x10000] =	vst v63  }
0x2a: {  	p0 =	seq.s32 s12, $0x0  }
0x2b: {  	p1 =	sge.u32 @!p0 s12, s7  }
0x2c: {  	p0 =	por p0, p1  }
.Ltmp2:
0x2d: {  	_ = 	snop;
	(pc) =	sbr.rel @p0 .LBB1_8-.Ltmp2, $1  }
0x2e: {  	_ =	sdelay $0x3  }
0x2f: {  	p0 =	sgt.s32 s10, $0x3CF9;
	s14 =	smov.u32 s10;
	s15 =	sshra.s32 s10, $0x1F  }
0x30: {  	s14 =	simm.s32 @!p0 $0x3CF9;
	s15 =	sand.u32 s15, s10  }
0x31: {  	s14 =	ssub.s32 s14, s15  }
0x32: {  	s16 =	sadd.s32 $0x10, s10;
	s14 =	sadd.s32 $0xFFFFC307, s14  }
0x33: {  	p1 =	slt.s32 s16, $0x3D09;
	s30 =	sshll.u32 s14, $0xC  }
0x34: {  	s16 =	simm.s32 @!p1 $0x3D09;
	s15 =	ssub.s32 $0x10000, s30  }
0x35: {  	p0 =	sgt.s32 s14, $0xF;
	s14 =	sshrl.u32 s15, $0x2;
	s15 =	ssub.s32 s16, s10  }
0x36: {  	s14 =	simm.s32 @p0 $0x0;
	p0 =	slt.s32 s15, $0x1  }
.Ltmp3:
0x37: {  	_ = 	snop;
	(pc) =	sbr.rel @p0 .LBB1_7-.Ltmp3, $4  }
0x38: {  	_ = 	snop  }
0x39: {  	_ =	swait.ge [sflag:s4], s14  }
0x3a: {  	s31 =	ssub.s32 $0x0, s14;
	[sflag:s4] =	ssyncset.done $0x0  }
0x3b: {  	[sflag:s4] =	ssyncadd.s32 s31  }
0x3c: {  	s16 =	sshrl.u32 s9, $0x1  }
0x3d: {  	s17 =	sand.u32 $0x4000, s16  }
0x3e: {  	s18 =	simm.s32 $0x0;
	s16 =	sor.u32 $0x200, s17;
	s17 =	sor.u32 $0x8080, s17  }
.LBB1_4:
0x3f: {  	v0 =	vld [tilespmem:s16+$0xFFFFFE70]  }
0x40: {  	v1 =	vld [tilespmem:s16+$0x70]  }
0x41: {  	v2 =	vld [tilespmem:s16+$0x0]  }
0x42: {  	v3 =	vld [tilespmem:s16+$0xFFFFFE10]  }
0x43: {  	v4 =	vld [tilespmem:s16+$0x10]  }
0x44: {  	v5 =	vld [tilespmem:s16+$0xFFFFFE20]  }
0x45: {  	v7 =	vld [tilespmem:s16+$0x20]  }
0x46: {  	v11 =	vld [tilespmem:s16+$0x30];
	v6 =	vunpack.i.l.s16.s32 v0;
	v8 =	vunpack.i.u.s16.s32 v0;
	v9 =	vunpack.i.u.s16.s32 v1  }
0x47: {  	v10 =	vunpack.i.l.s16.s32 v1;
	v0 =	vunpack.i.u.s16.s32 v2;
	v1 =	vunpack.i.l.s16.s32 v2;
	v2 =	vld [tilespmem:s16+$0xFFFFFE30]  }
0x48: {  	v8 =	vpack.i.b32.b16 v9, v8;
	v9 =	vunpack.i.u.s16.s32 v3;
	v3 =	vunpack.i.l.s16.s32 v3  }
0x49: {  	v12 =	vld [tilespmem:s16+$0xFFFFFE40];
	v6 =	vpack.i.b32.b16 v10, v6;
	[tilespmem:s17+$0x70] =	vst v8;
	v8 =	vunpack.i.u.s16.s32 v4;
	v4 =	vunpack.i.l.s16.s32 v4  }
0x4a: {  	v13 =	vld [tilespmem:s16+$0x40];
	v10 =	vunpack.i.u.s16.s32 v5;
	v5 =	vunpack.i.l.s16.s32 v5;
	[tilespmem:s17+$0xFFFFFFF0] =	vst v6;
	v3 =	vpack.i.b32.b16 v4, v3  }
0x4b: {  	v6 =	vunpack.i.l.s16.s32 v7;
	v4 =	vld [tilespmem:s16+$0xFFFFFE50];
	[tilespmem:s17+$0xFFFFFF90] =	vst v3;
	v3 =	vpack.i.b32.b16 v8, v9;
	v8 =	vunpack.i.u.s16.s32 v7  }
0x4c: {  	v7 =	vunpack.i.l.s16.s32 v11;
	[tilespmem:s17+$0x10] =	vst v3;
	v3 =	vpack.i.b32.b16 v6, v5;
	v9 =	vunpack.i.u.s16.s32 v2;
	v6 =	vld [tilespmem:s16+$0x50]  }
0x4d: {  	v5 =	vunpack.i.l.s16.s32 v2;
	v2 =	vld [tilespmem:s16+$0xFFFFFE60];
	[tilespmem:s17+$0xFFFFFFA0] =	vst v3;
	v3 =	vpack.i.b32.b16 v8, v10;
	v10 =	vunpack.i.u.s16.s32 v11  }
0x4e: {  	s21 =	simm.s32 $0x0;
	v11 =	vpack.i.b32.b16 v7, v5;
	v7 =	vunpack.i.u.s16.s32 v12;
	v8 =	vunpack.i.l.s16.s32 v12;
	[tilespmem:s17+$0x20] =	vst v3;
	v3 =	vld [tilespmem:s16+$0x60]  }
0x4f: {  	s22 =	sadd.s32 $0x80, s16;
	s20 =	smov.u32 s17;
	s19 =	smov.u32 s17;
	v5 =	vld [tilespmem:s16+$0xFFFFFE00];
	[tilespmem:s17+$0xFFFFFFB0] =	vst v11;
	v10 =	vpack.i.b32.b16 v10, v9;
	v9 =	vunpack.i.u.s16.s32 v13;
	v11 =	vunpack.i.l.s16.s32 v13  }
.LBB1_5:
0x50: {  	v12 =	vld [tilespmem:s22+$0xFFFFFE70];
	[tilespmem:s20+$0x30] =	vst v10;
	v8 =	vpack.i.b32.b16 v11, v8;
	v10 =	vunpack.i.u.s16.s32 v4;
	v4 =	vunpack.i.l.s16.s32 v4  }
0x51: {  	s21 =	sadd.s32 $0x2, s21;
	v7 =	vpack.i.b32.b16 v9, v7;
	v11 =	vld [tilespmem:s22+$0x70];
	[tilespmem:s20+$0xFFFFFFC0] =	vst v8;
	v8 =	vunpack.i.u.s16.s32 v6;
	v6 =	vunpack.i.l.s16.s32 v6  }
0x52: {  	p0 =	slt.u32 s21, $0x6;
	v9 =	vld [tilespmem:s22+$0x0];
	[tilespmem:s20+$0x40] =	vst v7;
	v4 =	vpack.i.b32.b16 v6, v4;
	v6 =	vunpack.i.u.s16.s32 v2;
	v2 =	vunpack.i.l.s16.s32 v2  }
0x53: {  	v7 =	vld [tilespmem:s22+$0xFFFFFE10];
	[tilespmem:s20+$0xFFFFFFD0] =	vst v4;
	v4 =	vpack.i.b32.b16 v8, v10;
	v8 =	vunpack.i.u.s16.s32 v3;
	v3 =	vunpack.i.l.s16.s32 v3  }
0x54: {  	v10 =	vld [tilespmem:s22+$0x10];
	v13 =	vunpack.i.u.s16.s32 v5;
	v5 =	vunpack.i.l.s16.s32 v5;
	[tilespmem:s20+$0x50] =	vst v4;
	v2 =	vpack.i.b32.b16 v3, v2  }
0x55: {  	v3 =	vld [tilespmem:s22+$0xFFFFFE20];
	v4 =	vunpack.i.l.s16.s32 v12;
	v1 =	vpack.i.b32.b16 v1, v5;
	v5 =	vpack.i.b32.b16 v0, v13;
	[tilespmem:s20+$0xFFFFFFE0] =	vst v2  }
0x56: {  	v12 =	vunpack.i.u.s16.s32 v12;
	v2 =	vld [tilespmem:s22+$0x20];
	v13 =	vunpack.i.u.s16.s32 v11;
	v11 =	vunpack.i.l.s16.s32 v11;
	[tilespmem:s20+$0xFFFFFF80] =	vst v1  }
0x57: {  	s20 =	sadd.s32 $0x100, s20;
	v0 =	vunpack.i.u.s16.s32 v9;
	v1 =	vunpack.i.l.s16.s32 v9;
	v9 =	vld [tilespmem:s22+$0xFFFFFE30];
	v12 =	vpack.i.b32.b16 v13, v12;
	[tilespmem:s19+$0x0] =	vst v5  }
0x58: {  	v6 =	vpack.i.b32.b16 v8, v6;
	v5 =	vunpack.i.u.s16.s32 v7;
	v7 =	vunpack.i.l.s16.s32 v7;
	v13 =	vld [tilespmem:s22+$0x30];
	[tilespmem:s20+$0x70] =	vst v12  }
0x59: {  	v4 =	vpack.i.b32.b16 v11, v4;
	v8 =	vunpack.i.u.s16.s32 v10;
	v10 =	vunpack.i.l.s16.s32 v10;
	v12 =	vld [tilespmem:s22+$0xFFFFFE40];
	[tilespmem:s19+$0x60] =	vst v6;
	s19 =	smov.u32 s20  }
0x5a: {  	v6 =	vpack.i.b32.b16 v10, v7;
	v7 =	vunpack.i.u.s16.s32 v3;
	v3 =	vunpack.i.l.s16.s32 v3;
	v11 =	vld [tilespmem:s22+$0x40];
	[tilespmem:s20+$0xFFFFFFF0] =	vst v4  }
.Ltmp4:
0x5b: {  	v5 =	vpack.i.b32.b16 v8, v5;
	[tilespmem:s20+$0xFFFFFF90] =	vst v6;
	v8 =	vunpack.i.u.s16.s32 v2;
	v2 =	vunpack.i.l.s16.s32 v2;
	v4 =	vld [tilespmem:s22+$0xFFFFFE50];
	(pc) =	sbr.rel @p0 .LBB1_5-.Ltmp4, $4  }
0x5c: {  	[tilespmem:s20+$0x10] =	vst v5;
	v2 =	vpack.i.b32.b16 v2, v3;
	v10 =	vunpack.i.u.s16.s32 v9;
	v3 =	vunpack.i.l.s16.s32 v9;
	v6 =	vld [tilespmem:s22+$0x50]  }
0x5d: {  	v5 =	vpack.i.b32.b16 v8, v7;
	[tilespmem:s20+$0xFFFFFFA0] =	vst v2;
	v9 =	vunpack.i.u.s16.s32 v13;
	v7 =	vunpack.i.l.s16.s32 v13;
	v2 =	vld [tilespmem:s22+$0xFFFFFE60]  }
0x5e: {  	[tilespmem:s20+$0x20] =	vst v5;
	v13 =	vpack.i.b32.b16 v7, v3;
	v7 =	vunpack.i.u.s16.s32 v12;
	v8 =	vunpack.i.l.s16.s32 v12;
	v3 =	vld [tilespmem:s22+$0x60]  }
0x5f: {  	v10 =	vpack.i.b32.b16 v9, v10;
	v5 =	vld [tilespmem:s22+$0xFFFFFE00];
	[tilespmem:s20+$0xFFFFFFB0] =	vst v13;
	v9 =	vunpack.i.u.s16.s32 v11;
	v11 =	vunpack.i.l.s16.s32 v11;
	s22 =	sadd.s32 $0x80, s22  }
0x60: {  	[tilespmem:s20+$0x30] =	vst v10;
	v8 =	vpack.i.b32.b16 v11, v8  }
0x61: {  	v51 =	vunpack.i.l.s16.s32 v4;
	v7 =	vpack.i.b32.b16 v9, v7;
	[tilespmem:s20+$0xFFFFFFC0] =	vst v8;
	v52 =	vunpack.i.l.s16.s32 v6  }
0x62: {  	v53 =	vunpack.i.u.s16.s32 v4;
	s18 =	sadd.s32 $0x1, s18;
	v54 =	vunpack.i.u.s16.s32 v6;
	[tilespmem:s20+$0x40] =	vst v7;
	v55 =	vpack.i.b32.b16 v52, v51  }
0x63: {  	p0 =	sne.s32 s18, s15;
	v56 =	vunpack.i.l.s16.s32 v2;
	v4 =	vpack.i.b32.b16 v54, v53;
	[tilespmem:s20+$0xFFFFFFD0] =	vst v55;
	v57 =	vunpack.i.l.s16.s32 v3  }
.Ltmp5:
0x64: {  	[tilespmem:s20+$0x50] =	vst v4;
	v58 =	vunpack.i.l.s16.s32 v5;
	v59 =	vpack.i.b32.b16 v57, v56;
	(pc) =	sbr.rel @p0 .LBB1_4-.Ltmp5, $4  }
.Ltmp6:
0x65: {  	v61 =	vunpack.i.u.s16.s32 v2;
	v62 =	vunpack.i.u.s16.s32 v3;
	v1 =	vpack.i.b32.b16 v1, v58;
	[tilespmem:s20+$0xFFFFFFE0] =	vst v59;
	(pc) =	sbr.rel @!p0 .LBB1_7-.Ltmp6, $4  }
0x66: {  	v60 =	vunpack.i.u.s16.s32 v5;
	v63 =	vpack.i.b32.b16 v62, v61;
	[tilespmem:s20+$0xFFFFFF80] =	vst v1  }
0x67: {  	v0 =	vpack.i.b32.b16 v0, v60;
	[tilespmem:s19+$0x60] =	vst v63  }
0x68: {  	s16 =	sadd.s32 $0x400, s16;
	s17 =	sadd.s32 $0x400, s17;
	[tilespmem:s19+$0x0] =	vst v0  }
0x69: {  	_ = 	snop  }
.LBB1_9:
0x6a: {  	_ =	sfence.sel $0x180000  }
0x6b: {  	s2 =	simm.s32 $0x1;
	[bflag:$0x0] =	sbarrier.arrive $0xFFFF  }
0x6c: {  	s31 =	simm.s32 $0x2;
	[sflag:s2] =	ssyncpa.u1 $0x1  }
0x6d: {  	[sflag:s31] =	ssyncpa.u1 $0x1  }
0x6e: {  	p0 =	sne.s32 s1, $0x0;
	_ =	strace $0x90000050  }
0x6f: {  	s0 =	sadd.s32 @!p0 $0x100000, s0;
	[bflag:$0x2] =	sbarrier.arrive $0xFFFF  }
0x70: {  	[sflag:s0] =	ssyncadd.tile.s32 @!p0 $0x1;
	_ =	shalt  }
.Lfunc_end1:
_tile_overlayer_lowered:
.L_overlay_start_2:
0x71: {  	(tag) =	ssettag $0x2  }
0x72: {  	s0 =	rddreg [dreg:$0x0];
	s2 =	stileid.u32  }
0x73: {  	s1 =	rddreg [dreg:$0x1];
	p0 =	sne.s32 s2, $0x0  }
0x74: {  	s3 =	rddreg [dreg:$0x2];
	[bflag:$0x3] =	sbarrier.arrive $0xFFFF;
	s2 =	simm.s32 @!p0 $0x1C01  }
0x75: {  	[timem:s3], [sflag:s2] =	dma.local @!p0 [hbm:s0], s1  }
0x76: {  	s0 =	simm.s32 @!p0 $0x1  }
0x77: {  	_ =	swait.ge @!p0 [sflag:s0], s1  }
0x78: {  	s1 =	ssub.s32 @!p0 $0x0, s1;
	[sflag:s0] =	ssyncset.done @!p0 $0x0  }
0x79: {  	[sflag:s0] =	ssyncadd.s32 @!p0 s1  }
0x7a: {  	[bflag:$0x3] =	sbarrier.arrive $0xFFFF  }
0x7b: {  	_ =	shalt  }

</sc_bundles>
